<compile_context>
chip_gen: v7x
topology: tpu7x:2x2x1
jax: 0.10.2.dev20260603
libtpu: 0.0.44.dev20260713+nightly
codegen_flags: <defaults>
</compile_context>

<pallas_src>
import functools

import jax
import jax.numpy as jnp
from jax import lax
from jax.experimental import pallas as pl
from jax.experimental.pallas import tpu as pltpu
from jax.experimental.pallas import tpu_sc as plsc

_BATCH = 4
_NUM_CORES = 2
_NUM_SUBCORES = 16
_NUM_WORKERS = _NUM_CORES * _NUM_SUBCORES
_CHUNK = 32
_NSLOTS = 3


def kernel(batch_size, seqlen, pos_embedding):
    n, e = pos_embedding.shape
    rows_per_w = n // _NUM_WORKERS
    nchunks = rows_per_w // _CHUNK
    mesh = plsc.VectorSubcoreMesh(
        core_axis_name="c", subcore_axis_name="s",
        num_cores=_NUM_CORES, num_subcores=_NUM_SUBCORES,
    )

    @functools.partial(
        pl.kernel,
        out_type=jax.ShapeDtypeStruct((_BATCH, n, e), pos_embedding.dtype),
        mesh=mesh,
        scratch_types=[
            [pltpu.VMEM((_CHUNK, e), jnp.float32) for _ in range(_NSLOTS)],
            [pltpu.SemaphoreType.DMA for _ in range(_NSLOTS)],
            [pltpu.SemaphoreType.DMA for _ in range(_NSLOTS)],
        ],
    )
    def bcast(table_hbm, out_hbm, bufs, rsems, wsems):
        wid = lax.axis_index("s") * _NUM_CORES + lax.axis_index("c")
        base = wid * rows_per_w

        def read(g, slot):
            return pltpu.make_async_copy(
                table_hbm.at[pl.ds(base + g * _CHUNK, _CHUNK)],
                bufs[slot], rsems[slot])

        def writes(g, slot):
            return [
                pltpu.make_async_copy(
                    bufs[slot],
                    out_hbm.at[b, pl.ds(base + g * _CHUNK, _CHUNK)],
                    wsems[slot])
                for b in range(_BATCH)
            ]

        for g in range(min(_NSLOTS, nchunks)):
            read(g, g % _NSLOTS).start()
        for g in range(nchunks):
            s = g % _NSLOTS
            read(g, s).wait()
            for w in writes(g, s):
                w.start()
            nxt = g + _NSLOTS
            if nxt < nchunks:
                for w in writes(g, s):
                    w.wait()
                read(nxt, s).start()
        for g in range(max(0, nchunks - _NSLOTS), nchunks):
            for w in writes(g, g % _NSLOTS):
                w.wait()

    return bcast(pos_embedding)

# --- scband reference (transcript-rebuilt; emitter-appended) ---
"""Pipeline reference for scband-positional-encoder-23545010717012 (READ-ONLY COPY).

The authoritative reference and input builder live on the scoring server;
editing this copy changes nothing except your own understanding.
"""

import jax, jax.numpy as jnp
import numpy as np

EMBED_SIZE = 1024
N_POSITION = 8192


def _build_table():
    # Faithful translation of the torch __init__ loop:
    # mat[pos, i] = pos / 10000**(2*i/embed_size), then sin on even cols, cos on odd cols.
    pos = np.arange(N_POSITION, dtype=np.float64)[:, None]
    i = np.arange(EMBED_SIZE, dtype=np.float64)[None, :]
    mat = pos / np.power(10000.0, 2.0 * i / EMBED_SIZE)
    mat[:, 0::2] = np.sin(mat[:, 0::2])
    mat[:, 1::2] = np.cos(mat[:, 1::2])
    return jnp.asarray(mat, dtype=jnp.float32)


def setup_inputs(seed: int = 0) -> dict:
    key = jax.random.key(seed)
    return {
        "batch_size": 4,
        "seqlen": 8192,
        "pos_embedding": _build_table(),  # frozen learned-style table [n_position, embed_size]
    }


def reference(batch_size, seqlen, pos_embedding):
    # pos_idx = arange(seqlen) repeated batch_size times -> [b, seqlen]
    static_seqlen = pos_embedding.shape[0]
    static_batch = 4
    zero = (jnp.asarray(batch_size, dtype=jnp.int32)
            + jnp.asarray(seqlen, dtype=jnp.int32)) * jnp.int32(0)
    pos_idx = jnp.arange(static_seqlen, dtype=jnp.int32) + zero
    pos_idx = jnp.tile(pos_idx[None, :], (static_batch, 1))
    # embedding lookup (gather along rows)
    pos_embeds = jnp.take(pos_embedding, pos_idx, axis=0)  # [b, seqlen, embed_size]
    return pos_embeds

if __name__ == "__main__":
    import jax
    _d = setup_inputs()
    print(jax.jit(kernel)(*tuple(_d.values())))

</pallas_src>

<mosaic_0001>
#map = affine_map<(d0, d1) -> (0, 0)>
#map1 = affine_map<(d0, d1) -> (0, 0, 0)>
module attributes {stable_mosaic.version = 14 : i64} {
  func.func @bcast(%arg0: i32, %arg1: i32, %arg2: memref<8192x1024xf32, #tpu.memory_space<hbm>>, %arg3: memref<4x8192x1024xf32, #tpu.memory_space<hbm>>, %arg4: memref<32x1024xf32, #tpu.memory_space<vmem>>, %arg5: memref<32x1024xf32, #tpu.memory_space<vmem>>, %arg6: memref<32x1024xf32, #tpu.memory_space<vmem>>, %arg7: memref<!tpu.dma_semaphore, #tpu.memory_space<semaphore_mem>>, %arg8: memref<!tpu.dma_semaphore, #tpu.memory_space<semaphore_mem>>, %arg9: memref<!tpu.dma_semaphore, #tpu.memory_space<semaphore_mem>>, %arg10: memref<!tpu.dma_semaphore, #tpu.memory_space<semaphore_mem>>, %arg11: memref<!tpu.dma_semaphore, #tpu.memory_space<semaphore_mem>>, %arg12: memref<!tpu.dma_semaphore, #tpu.memory_space<semaphore_mem>>) attributes {dimension_semantics = [#tpu.dimension_semantics<core_parallel>, #tpu.dimension_semantics<subcore_parallel>], iteration_bounds = array<i64: 2, 16>, scalar_prefetch = 0 : i64, scratch_operands = 9 : i64, tpu.core_type = #tpu.core_type<sc_vector_subcore>, window_params = [{transform_indices = #map}, {transform_indices = #map1}]} {
    %mul3A = arith.constant 2 : i32
    %mul3A_0 = arith.muli %arg1, %mul3A : i32
    %add3A = arith.addi %mul3A_0, %arg0 : i32
    %mul3A_1 = arith.constant 256 : i32
    %mul3A_2 = arith.muli %add3A, %mul3A_1 : i32
    %add3A_3 = arith.constant 0 : i32
    %add3A_4 = arith.addi %mul3A_2, %add3A_3 : i32
    %dma_start3A = arith.constant 0 : i32
    %dma_start3A_5 = tpu.memref_slice %arg2[%add3A_4, %dma_start3A] : memref<8192x1024xf32, #tpu.memory_space<hbm>> -> memref<32x1024xf32, #tpu.memory_space<hbm>>
    %dma_start3A_6 = arith.constant 0 : i32
    %dma_start3A_7 = tpu.memref_slice %arg2[%add3A_4, %dma_start3A_6] : memref<8192x1024xf32, #tpu.memory_space<hbm>> -> memref<32x1024xf32, #tpu.memory_space<hbm>>
    tpu.enqueue_dma source(%dma_start3A_7 : memref<32x1024xf32, #tpu.memory_space<hbm>>) target(%arg4 : memref<32x1024xf32, #tpu.memory_space<vmem>>) target_semaphore(%arg7 : memref<!tpu.dma_semaphore, #tpu.memory_space<semaphore_mem>>)
    %add3A_8 = arith.constant 32 : i32
    %add3A_9 = arith.addi %mul3A_2, %add3A_8 : i32
    %dma_start3A_10 = arith.constant 0 : i32
    %dma_start3A_11 = tpu.memref_slice %arg2[%add3A_9, %dma_start3A_10] : memref<8192x1024xf32, #tpu.memory_space<hbm>> -> memref<32x1024xf32, #tpu.memory_space<hbm>>
    %dma_start3A_12 = arith.constant 0 : i32
    %dma_start3A_13 = tpu.memref_slice %arg2[%add3A_9, %dma_start3A_12] : memref<8192x1024xf32, #tpu.memory_space<hbm>> -> memref<32x1024xf32, #tpu.memory_space<hbm>>
    tpu.enqueue_dma source(%dma_start3A_13 : memref<32x1024xf32, #tpu.memory_space<hbm>>) target(%arg5 : memref<32x1024xf32, #tpu.memory_space<vmem>>) target_semaphore(%arg8 : memref<!tpu.dma_semaphore, #tpu.memory_space<semaphore_mem>>)
    %add3A_14 = arith.constant 64 : i32
    %add3A_15 = arith.addi %mul3A_2, %add3A_14 : i32
    %dma_start3A_16 = arith.constant 0 : i32
    %dma_start3A_17 = tpu.memref_slice %arg2[%add3A_15, %dma_start3A_16] : memref<8192x1024xf32, #tpu.memory_space<hbm>> -> memref<32x1024xf32, #tpu.memory_space<hbm>>
    %dma_start3A_18 = arith.constant 0 : i32
    %dma_start3A_19 = tpu.memref_slice %arg2[%add3A_15, %dma_start3A_18] : memref<8192x1024xf32, #tpu.memory_space<hbm>> -> memref<32x1024xf32, #tpu.memory_space<hbm>>
    tpu.enqueue_dma source(%dma_start3A_19 : memref<32x1024xf32, #tpu.memory_space<hbm>>) target(%arg6 : memref<32x1024xf32, #tpu.memory_space<vmem>>) target_semaphore(%arg9 : memref<!tpu.dma_semaphore, #tpu.memory_space<semaphore_mem>>)
    %add3A_20 = arith.constant 0 : i32
    %add3A_21 = arith.addi %mul3A_2, %add3A_20 : i32
    %dma_wait3A = arith.constant 0 : i32
    %dma_wait3A_22 = tpu.memref_slice %arg2[%add3A_21, %dma_wait3A] : memref<8192x1024xf32, #tpu.memory_space<hbm>> -> memref<32x1024xf32, #tpu.memory_space<hbm>>
    %dma_wait3A_23 = arith.constant 0 : i32
    %dma_wait3A_24 = tpu.memref_slice %arg2[%add3A_21, %dma_wait3A_23] : memref<8192x1024xf32, #tpu.memory_space<hbm>> -> memref<32x1024xf32, #tpu.memory_space<hbm>>
    tpu.wait_dma2 semaphore(%arg7 : memref<!tpu.dma_semaphore, #tpu.memory_space<semaphore_mem>>) src(%dma_wait3A_24 : memref<32x1024xf32, #tpu.memory_space<hbm>>) dst(%arg4 : memref<32x1024xf32, #tpu.memory_space<vmem>>)
    %add3A_25 = arith.constant 0 : i32
    %add3A_26 = arith.addi %mul3A_2, %add3A_25 : i32
    %add3A_27 = arith.constant 0 : i32
    %add3A_28 = arith.addi %mul3A_2, %add3A_27 : i32
    %add3A_29 = arith.constant 0 : i32
    %add3A_30 = arith.addi %mul3A_2, %add3A_29 : i32
    %add3A_31 = arith.constant 0 : i32
    %add3A_32 = arith.addi %mul3A_2, %add3A_31 : i32
    %dma_start3A_33 = arith.constant 0 : i32
    %dma_start3A_34 = arith.constant 0 : i32
    %dma_start3A_35 = tpu.memref_slice %arg3[%dma_start3A_33, %add3A_26, %dma_start3A_34] : memref<4x8192x1024xf32, #tpu.memory_space<hbm>> -> memref<1x32x1024xf32, #tpu.memory_space<hbm>>
    %dma_start3A_36 = tpu.memref_squeeze %dma_start3A_35 : memref<1x32x1024xf32, #tpu.memory_space<hbm>> -> memref<32x1024xf32, #tpu.memory_space<hbm>>
    %dma_start3A_37 = arith.constant 0 : i32
    %dma_start3A_38 = tpu.memref_slice %arg3[%dma_start3A_33, %add3A_26, %dma_start3A_37] : memref<4x8192x1024xf32, #tpu.memory_space<hbm>> -> memref<1x32x1024xf32, #tpu.memory_space<hbm>>
    %dma_start3A_39 = tpu.memref_squeeze %dma_start3A_38 : memref<1x32x1024xf32, #tpu.memory_space<hbm>> -> memref<32x1024xf32, #tpu.memory_space<hbm>>
    tpu.enqueue_dma source(%arg4 : memref<32x1024xf32, #tpu.memory_space<vmem>>) target(%dma_start3A_39 : memref<32x1024xf32, #tpu.memory_space<hbm>>) target_semaphore(%arg10 : memref<!tpu.dma_semaphore, #tpu.memory_space<semaphore_mem>>)
    %dma_start3A_40 = arith.constant 1 : i32
    %dma_start3A_41 = arith.constant 0 : i32
    %dma_start3A_42 = tpu.memref_slice %arg3[%dma_start3A_40, %add3A_28, %dma_start3A_41] : memref<4x8192x1024xf32, #tpu.memory_space<hbm>> -> memref<1x32x1024xf32, #tpu.memory_space<hbm>>
    %dma_start3A_43 = tpu.memref_squeeze %dma_start3A_42 : memref<1x32x1024xf32, #tpu.memory_space<hbm>> -> memref<32x1024xf32, #tpu.memory_space<hbm>>
    %dma_start3A_44 = arith.constant 0 : i32
    %dma_start3A_45 = tpu.memref_slice %arg3[%dma_start3A_40, %add3A_28, %dma_start3A_44] : memref<4x8192x1024xf32, #tpu.memory_space<hbm>> -> memref<1x32x1024xf32, #tpu.memory_space<hbm>>
    %dma_start3A_46 = tpu.memref_squeeze %dma_start3A_45 : memref<1x32x1024xf32, #tpu.memory_space<hbm>> -> memref<32x1024xf32, #tpu.memory_space<hbm>>
    tpu.enqueue_dma source(%arg4 : memref<32x1024xf32, #tpu.memory_space<vmem>>) target(%dma_start3A_46 : memref<32x1024xf32, #tpu.memory_space<hbm>>) target_semaphore(%arg10 : memref<!tpu.dma_semaphore, #tpu.memory_space<semaphore_mem>>)
    %dma_start3A_47 = arith.constant 2 : i32
    %dma_start3A_48 = arith.constant 0 : i32
    %dma_start3A_49 = tpu.memref_slice %arg3[%dma_start3A_47, %add3A_30, %dma_start3A_48] : memref<4x8192x1024xf32, #tpu.memory_space<hbm>> -> memref<1x32x1024xf32, #tpu.memory_space<hbm>>
    %dma_start3A_50 = tpu.memref_squeeze %dma_start3A_49 : memref<1x32x1024xf32, #tpu.memory_space<hbm>> -> memref<32x1024xf32, #tpu.memory_space<hbm>>
    %dma_start3A_51 = arith.constant 0 : i32
    %dma_start3A_52 = tpu.memref_slice %arg3[%dma_start3A_47, %add3A_30, %dma_start3A_51] : memref<4x8192x1024xf32, #tpu.memory_space<hbm>> -> memref<1x32x1024xf32, #tpu.memory_space<hbm>>
    %dma_start3A_53 = tpu.memref_squeeze %dma_start3A_52 : memref<1x32x1024xf32, #tpu.memory_space<hbm>> -> memref<32x1024xf32, #tpu.memory_space<hbm>>
    tpu.enqueue_dma source(%arg4 : memref<32x1024xf32, #tpu.memory_space<vmem>>) target(%dma_start3A_53 : memref<32x1024xf32, #tpu.memory_space<hbm>>) target_semaphore(%arg10 : memref<!tpu.dma_semaphore, #tpu.memory_space<semaphore_mem>>)
    %dma_start3A_54 = arith.constant 3 : i32
    %dma_start3A_55 = arith.constant 0 : i32
    %dma_start3A_56 = tpu.memref_slice %arg3[%dma_start3A_54, %add3A_32, %dma_start3A_55] : memref<4x8192x1024xf32, #tpu.memory_space<hbm>> -> memref<1x32x1024xf32, #tpu.memory_space<hbm>>
    %dma_start3A_57 = tpu.memref_squeeze %dma_start3A_56 : memref<1x32x1024xf32, #tpu.memory_space<hbm>> -> memref<32x1024xf32, #tpu.memory_space<hbm>>
    %dma_start3A_58 = arith.constant 0 : i32
    %dma_start3A_59 = tpu.memref_slice %arg3[%dma_start3A_54, %add3A_32, %dma_start3A_58] : memref<4x8192x1024xf32, #tpu.memory_space<hbm>> -> memref<1x32x1024xf32, #tpu.memory_space<hbm>>
    %dma_start3A_60 = tpu.memref_squeeze %dma_start3A_59 : memref<1x32x1024xf32, #tpu.memory_space<hbm>> -> memref<32x1024xf32, #tpu.memory_space<hbm>>
    tpu.enqueue_dma source(%arg4 : memref<32x1024xf32, #tpu.memory_space<vmem>>) target(%dma_start3A_60 : memref<32x1024xf32, #tpu.memory_space<hbm>>) target_semaphore(%arg10 : memref<!tpu.dma_semaphore, #tpu.memory_space<semaphore_mem>>)
    %add3A_61 = arith.constant 0 : i32
    %add3A_62 = arith.addi %mul3A_2, %add3A_61 : i32
    %add3A_63 = arith.constant 0 : i32
    %add3A_64 = arith.addi %mul3A_2, %add3A_63 : i32
    %add3A_65 = arith.constant 0 : i32
    %add3A_66 = arith.addi %mul3A_2, %add3A_65 : i32
    %add3A_67 = arith.constant 0 : i32
    %add3A_68 = arith.addi %mul3A_2, %add3A_67 : i32
    %dma_wait3A_69 = arith.constant 0 : i32
    %dma_wait3A_70 = arith.constant 0 : i32
    %dma_wait3A_71 = tpu.memref_slice %arg3[%dma_wait3A_69, %add3A_62, %dma_wait3A_70] : memref<4x8192x1024xf32, #tpu.memory_space<hbm>> -> memref<1x32x1024xf32, #tpu.memory_space<hbm>>
    %dma_wait3A_72 = tpu.memref_squeeze %dma_wait3A_71 : memref<1x32x1024xf32, #tpu.memory_space<hbm>> -> memref<32x1024xf32, #tpu.memory_space<hbm>>
    %dma_wait3A_73 = arith.constant 0 : i32
    %dma_wait3A_74 = tpu.memref_slice %arg3[%dma_wait3A_69, %add3A_62, %dma_wait3A_73] : memref<4x8192x1024xf32, #tpu.memory_space<hbm>> -> memref<1x32x1024xf32, #tpu.memory_space<hbm>>
    %dma_wait3A_75 = tpu.memref_squeeze %dma_wait3A_74 : memref<1x32x1024xf32, #tpu.memory_space<hbm>> -> memref<32x1024xf32, #tpu.memory_space<hbm>>
    tpu.wait_dma2 semaphore(%arg10 : memref<!tpu.dma_semaphore, #tpu.memory_space<semaphore_mem>>) src(%arg4 : memref<32x1024xf32, #tpu.memory_space<vmem>>) dst(%dma_wait3A_75 : memref<32x1024xf32, #tpu.memory_space<hbm>>)
    %dma_wait3A_76 = arith.constant 1 : i32
    %dma_wait3A_77 = arith.constant 0 : i32
    %dma_wait3A_78 = tpu.memref_slice %arg3[%dma_wait3A_76, %add3A_64, %dma_wait3A_77] : memref<4x8192x1024xf32, #tpu.memory_space<hbm>> -> memref<1x32x1024xf32, #tpu.memory_space<hbm>>
    %dma_wait3A_79 = tpu.memref_squeeze %dma_wait3A_78 : memref<1x32x1024xf32, #tpu.memory_space<hbm>> -> memref<32x1024xf32, #tpu.memory_space<hbm>>
    %dma_wait3A_80 = arith.constant 0 : i32
    %dma_wait3A_81 = tpu.memref_slice %arg3[%dma_wait3A_76, %add3A_64, %dma_wait3A_80] : memref<4x8192x1024xf32, #tpu.memory_space<hbm>> -> memref<1x32x1024xf32, #tpu.memory_space<hbm>>
    %dma_wait3A_82 = tpu.memref_squeeze %dma_wait3A_81 : memref<1x32x1024xf32, #tpu.memory_space<hbm>> -> memref<32x1024xf32, #tpu.memory_space<hbm>>
    tpu.wait_dma2 semaphore(%arg10 : memref<!tpu.dma_semaphore, #tpu.memory_space<semaphore_mem>>) src(%arg4 : memref<32x1024xf32, #tpu.memory_space<vmem>>) dst(%dma_wait3A_82 : memref<32x1024xf32, #tpu.memory_space<hbm>>)
    %dma_wait3A_83 = arith.constant 2 : i32
    %dma_wait3A_84 = arith.constant 0 : i32
    %dma_wait3A_85 = tpu.memref_slice %arg3[%dma_wait3A_83, %add3A_66, %dma_wait3A_84] : memref<4x8192x1024xf32, #tpu.memory_space<hbm>> -> memref<1x32x1024xf32, #tpu.memory_space<hbm>>
    %dma_wait3A_86 = tpu.memref_squeeze %dma_wait3A_85 : memref<1x32x1024xf32, #tpu.memory_space<hbm>> -> memref<32x1024xf32, #tpu.memory_space<hbm>>
    %dma_wait3A_87 = arith.constant 0 : i32
    %dma_wait3A_88 = tpu.memref_slice %arg3[%dma_wait3A_83, %add3A_66, %dma_wait3A_87] : memref<4x8192x1024xf32, #tpu.memory_space<hbm>> -> memref<1x32x1024xf32, #tpu.memory_space<hbm>>
    %dma_wait3A_89 = tpu.memref_squeeze %dma_wait3A_88 : memref<1x32x1024xf32, #tpu.memory_space<hbm>> -> memref<32x1024xf32, #tpu.memory_space<hbm>>
    tpu.wait_dma2 semaphore(%arg10 : memref<!tpu.dma_semaphore, #tpu.memory_space<semaphore_mem>>) src(%arg4 : memref<32x1024xf32, #tpu.memory_space<vmem>>) dst(%dma_wait3A_89 : memref<32x1024xf32, #tpu.memory_space<hbm>>)
    %dma_wait3A_90 = arith.constant 3 : i32
    %dma_wait3A_91 = arith.constant 0 : i32
    %dma_wait3A_92 = tpu.memref_slice %arg3[%dma_wait3A_90, %add3A_68, %dma_wait3A_91] : memref<4x8192x1024xf32, #tpu.memory_space<hbm>> -> memref<1x32x1024xf32, #tpu.memory_space<hbm>>
    %dma_wait3A_93 = tpu.memref_squeeze %dma_wait3A_92 : memref<1x32x1024xf32, #tpu.memory_space<hbm>> -> memref<32x1024xf32, #tpu.memory_space<hbm>>
    %dma_wait3A_94 = arith.constant 0 : i32
    %dma_wait3A_95 = tpu.memref_slice %arg3[%dma_wait3A_90, %add3A_68, %dma_wait3A_94] : memref<4x8192x1024xf32, #tpu.memory_space<hbm>> -> memref<1x32x1024xf32, #tpu.memory_space<hbm>>
    %dma_wait3A_96 = tpu.memref_squeeze %dma_wait3A_95 : memref<1x32x1024xf32, #tpu.memory_space<hbm>> -> memref<32x1024xf32, #tpu.memory_space<hbm>>
    tpu.wait_dma2 semaphore(%arg10 : memref<!tpu.dma_semaphore, #tpu.memory_space<semaphore_mem>>) src(%arg4 : memref<32x1024xf32, #tpu.memory_space<vmem>>) dst(%dma_wait3A_96 : memref<32x1024xf32, #tpu.memory_space<hbm>>)
    %add3A_97 = arith.constant 96 : i32
    %add3A_98 = arith.addi %mul3A_2, %add3A_97 : i32
    %dma_start3A_99 = arith.constant 0 : i32
    %dma_start3A_100 = tpu.memref_slice %arg2[%add3A_98, %dma_start3A_99] : memref<8192x1024xf32, #tpu.memory_space<hbm>> -> memref<32x1024xf32, #tpu.memory_space<hbm>>
    %dma_start3A_101 = arith.constant 0 : i32
    %dma_start3A_102 = tpu.memref_slice %arg2[%add3A_98, %dma_start3A_101] : memref<8192x1024xf32, #tpu.memory_space<hbm>> -> memref<32x1024xf32, #tpu.memory_space<hbm>>
    tpu.enqueue_dma source(%dma_start3A_102 : memref<32x1024xf32, #tpu.memory_space<hbm>>) target(%arg4 : memref<32x1024xf32, #tpu.memory_space<vmem>>) target_semaphore(%arg7 : memref<!tpu.dma_semaphore, #tpu.memory_space<semaphore_mem>>)
    %add3A_103 = arith.constant 32 : i32
    %add3A_104 = arith.addi %mul3A_2, %add3A_103 : i32
    %dma_wait3A_105 = arith.constant 0 : i32
    %dma_wait3A_106 = tpu.memref_slice %arg2[%add3A_104, %dma_wait3A_105] : memref<8192x1024xf32, #tpu.memory_space<hbm>> -> memref<32x1024xf32, #tpu.memory_space<hbm>>
    %dma_wait3A_107 = arith.constant 0 : i32
    %dma_wait3A_108 = tpu.memref_slice %arg2[%add3A_104, %dma_wait3A_107] : memref<8192x1024xf32, #tpu.memory_space<hbm>> -> memref<32x1024xf32, #tpu.memory_space<hbm>>
    tpu.wait_dma2 semaphore(%arg8 : memref<!tpu.dma_semaphore, #tpu.memory_space<semaphore_mem>>) src(%dma_wait3A_108 : memref<32x1024xf32, #tpu.memory_space<hbm>>) dst(%arg5 : memref<32x1024xf32, #tpu.memory_space<vmem>>)
    %add3A_109 = arith.constant 32 : i32
    %add3A_110 = arith.addi %mul3A_2, %add3A_109 : i32
    %add3A_111 = arith.constant 32 : i32
    %add3A_112 = arith.addi %mul3A_2, %add3A_111 : i32
    %add3A_113 = arith.constant 32 : i32
    %add3A_114 = arith.addi %mul3A_2, %add3A_113 : i32
    %add3A_115 = arith.constant 32 : i32
    %add3A_116 = arith.addi %mul3A_2, %add3A_115 : i32
    %dma_start3A_117 = arith.constant 0 : i32
    %dma_start3A_118 = arith.constant 0 : i32
    %dma_start3A_119 = tpu.memref_slice %arg3[%dma_start3A_117, %add3A_110, %dma_start3A_118] : memref<4x8192x1024xf32, #tpu.memory_space<hbm>> -> memref<1x32x1024xf32, #tpu.memory_space<hbm>>
    %dma_start3A_120 = tpu.memref_squeeze %dma_start3A_119 : memref<1x32x1024xf32, #tpu.memory_space<hbm>> -> memref<32x1024xf32, #tpu.memory_space<hbm>>
    %dma_start3A_121 = arith.constant 0 : i32
    %dma_start3A_122 = tpu.memref_slice %arg3[%dma_start3A_117, %add3A_110, %dma_start3A_121] : memref<4x8192x1024xf32, #tpu.memory_space<hbm>> -> memref<1x32x1024xf32, #tpu.memory_space<hbm>>
    %dma_start3A_123 = tpu.memref_squeeze %dma_start3A_122 : memref<1x32x1024xf32, #tpu.memory_space<hbm>> -> memref<32x1024xf32, #tpu.memory_space<hbm>>
    tpu.enqueue_dma source(%arg5 : memref<32x1024xf32, #tpu.memory_space<vmem>>) target(%dma_start3A_123 : memref<32x1024xf32, #tpu.memory_space<hbm>>) target_semaphore(%arg11 : memref<!tpu.dma_semaphore, #tpu.memory_space<semaphore_mem>>)
    %dma_start3A_124 = arith.constant 1 : i32
    %dma_start3A_125 = arith.constant 0 : i32
    %dma_start3A_126 = tpu.memref_slice %arg3[%dma_start3A_124, %add3A_112, %dma_start3A_125] : memref<4x8192x1024xf32, #tpu.memory_space<hbm>> -> memref<1x32x1024xf32, #tpu.memory_space<hbm>>
    %dma_start3A_127 = tpu.memref_squeeze %dma_start3A_126 : memref<1x32x1024xf32, #tpu.memory_space<hbm>> -> memref<32x1024xf32, #tpu.memory_space<hbm>>
    %dma_start3A_128 = arith.constant 0 : i32
    %dma_start3A_129 = tpu.memref_slice %arg3[%dma_start3A_124, %add3A_112, %dma_start3A_128] : memref<4x8192x1024xf32, #tpu.memory_space<hbm>> -> memref<1x32x1024xf32, #tpu.memory_space<hbm>>
    %dma_start3A_130 = tpu.memref_squeeze %dma_start3A_129 : memref<1x32x1024xf32, #tpu.memory_space<hbm>> -> memref<32x1024xf32, #tpu.memory_space<hbm>>
    tpu.enqueue_dma source(%arg5 : memref<32x1024xf32, #tpu.memory_space<vmem>>) target(%dma_start3A_130 : memref<32x1024xf32, #tpu.memory_space<hbm>>) target_semaphore(%arg11 : memref<!tpu.dma_semaphore, #tpu.memory_space<semaphore_mem>>)
    %dma_start3A_131 = arith.constant 2 : i32
    %dma_start3A_132 = arith.constant 0 : i32
    %dma_start3A_133 = tpu.memref_slice %arg3[%dma_start3A_131, %add3A_114, %dma_start3A_132] : memref<4x8192x1024xf32, #tpu.memory_space<hbm>> -> memref<1x32x1024xf32, #tpu.memory_space<hbm>>
    %dma_start3A_134 = tpu.memref_squeeze %dma_start3A_133 : memref<1x32x1024xf32, #tpu.memory_space<hbm>> -> memref<32x1024xf32, #tpu.memory_space<hbm>>
    %dma_start3A_135 = arith.constant 0 : i32
    %dma_start3A_136 = tpu.memref_slice %arg3[%dma_start3A_131, %add3A_114, %dma_start3A_135] : memref<4x8192x1024xf32, #tpu.memory_space<hbm>> -> memref<1x32x1024xf32, #tpu.memory_space<hbm>>
    %dma_start3A_137 = tpu.memref_squeeze %dma_start3A_136 : memref<1x32x1024xf32, #tpu.memory_space<hbm>> -> memref<32x1024xf32, #tpu.memory_space<hbm>>
    tpu.enqueue_dma source(%arg5 : memref<32x1024xf32, #tpu.memory_space<vmem>>) target(%dma_start3A_137 : memref<32x1024xf32, #tpu.memory_space<hbm>>) target_semaphore(%arg11 : memref<!tpu.dma_semaphore, #tpu.memory_space<semaphore_mem>>)
    %dma_start3A_138 = arith.constant 3 : i32
    %dma_start3A_139 = arith.constant 0 : i32
    %dma_start3A_140 = tpu.memref_slice %arg3[%dma_start3A_138, %add3A_116, %dma_start3A_139] : memref<4x8192x1024xf32, #tpu.memory_space<hbm>> -> memref<1x32x1024xf32, #tpu.memory_space<hbm>>
    %dma_start3A_141 = tpu.memref_squeeze %dma_start3A_140 : memref<1x32x1024xf32, #tpu.memory_space<hbm>> -> memref<32x1024xf32, #tpu.memory_space<hbm>>
    %dma_start3A_142 = arith.constant 0 : i32
    %dma_start3A_143 = tpu.memref_slice %arg3[%dma_start3A_138, %add3A_116, %dma_start3A_142] : memref<4x8192x1024xf32, #tpu.memory_space<hbm>> -> memref<1x32x1024xf32, #tpu.memory_space<hbm>>
    %dma_start3A_144 = tpu.memref_squeeze %dma_start3A_143 : memref<1x32x1024xf32, #tpu.memory_space<hbm>> -> memref<32x1024xf32, #tpu.memory_space<hbm>>
    tpu.enqueue_dma source(%arg5 : memref<32x1024xf32, #tpu.memory_space<vmem>>) target(%dma_start3A_144 : memref<32x1024xf32, #tpu.memory_space<hbm>>) target_semaphore(%arg11 : memref<!tpu.dma_semaphore, #tpu.memory_space<semaphore_mem>>)
    %add3A_145 = arith.constant 32 : i32
    %add3A_146 = arith.addi %mul3A_2, %add3A_145 : i32
    %add3A_147 = arith.constant 32 : i32
    %add3A_148 = arith.addi %mul3A_2, %add3A_147 : i32
    %add3A_149 = arith.constant 32 : i32
    %add3A_150 = arith.addi %mul3A_2, %add3A_149 : i32
    %add3A_151 = arith.constant 32 : i32
    %add3A_152 = arith.addi %mul3A_2, %add3A_151 : i32
    %dma_wait3A_153 = arith.constant 0 : i32
    %dma_wait3A_154 = arith.constant 0 : i32
    %dma_wait3A_155 = tpu.memref_slice %arg3[%dma_wait3A_153, %add3A_146, %dma_wait3A_154] : memref<4x8192x1024xf32, #tpu.memory_space<hbm>> -> memref<1x32x1024xf32, #tpu.memory_space<hbm>>
    %dma_wait3A_156 = tpu.memref_squeeze %dma_wait3A_155 : memref<1x32x1024xf32, #tpu.memory_space<hbm>> -> memref<32x1024xf32, #tpu.memory_space<hbm>>
    %dma_wait3A_157 = arith.constant 0 : i32
    %dma_wait3A_158 = tpu.memref_slice %arg3[%dma_wait3A_153, %add3A_146, %dma_wait3A_157] : memref<4x8192x1024xf32, #tpu.memory_space<hbm>> -> memref<1x32x1024xf32, #tpu.memory_space<hbm>>
    %dma_wait3A_159 = tpu.memref_squeeze %dma_wait3A_158 : memref<1x32x1024xf32, #tpu.memory_space<hbm>> -> memref<32x1024xf32, #tpu.memory_space<hbm>>
    tpu.wait_dma2 semaphore(%arg11 : memref<!tpu.dma_semaphore, #tpu.memory_space<semaphore_mem>>) src(%arg5 : memref<32x1024xf32, #tpu.memory_space<vmem>>) dst(%dma_wait3A_159 : memref<32x1024xf32, #tpu.memory_space<hbm>>)
    %dma_wait3A_160 = arith.constant 1 : i32
    %dma_wait3A_161 = arith.constant 0 : i32
    %dma_wait3A_162 = tpu.memref_slice %arg3[%dma_wait3A_160, %add3A_148, %dma_wait3A_161] : memref<4x8192x1024xf32, #tpu.memory_space<hbm>> -> memref<1x32x1024xf32, #tpu.memory_space<hbm>>
    %dma_wait3A_163 = tpu.memref_squeeze %dma_wait3A_162 : memref<1x32x1024xf32, #tpu.memory_space<hbm>> -> memref<32x1024xf32, #tpu.memory_space<hbm>>
    %dma_wait3A_164 = arith.constant 0 : i32
    %dma_wait3A_165 = tpu.memref_slice %arg3[%dma_wait3A_160, %add3A_148, %dma_wait3A_164] : memref<4x8192x1024xf32, #tpu.memory_space<hbm>> -> memref<1x32x1024xf32, #tpu.memory_space<hbm>>
    %dma_wait3A_166 = tpu.memref_squeeze %dma_wait3A_165 : memref<1x32x1024xf32, #tpu.memory_space<hbm>> -> memref<32x1024xf32, #tpu.memory_space<hbm>>
    tpu.wait_dma2 semaphore(%arg11 : memref<!tpu.dma_semaphore, #tpu.memory_space<semaphore_mem>>) src(%arg5 : memref<32x1024xf32, #tpu.memory_space<vmem>>) dst(%dma_wait3A_166 : memref<32x1024xf32, #tpu.memory_space<hbm>>)
    %dma_wait3A_167 = arith.constant 2 : i32
    %dma_wait3A_168 = arith.constant 0 : i32
    %dma_wait3A_169 = tpu.memref_slice %arg3[%dma_wait3A_167, %add3A_150, %dma_wait3A_168] : memref<4x8192x1024xf32, #tpu.memory_space<hbm>> -> memref<1x32x1024xf32, #tpu.memory_space<hbm>>
    %dma_wait3A_170 = tpu.memref_squeeze %dma_wait3A_169 : memref<1x32x1024xf32, #tpu.memory_space<hbm>> -> memref<32x1024xf32, #tpu.memory_space<hbm>>
    %dma_wait3A_171 = arith.constant 0 : i32
    %dma_wait3A_172 = tpu.memref_slice %arg3[%dma_wait3A_167, %add3A_150, %dma_wait3A_171] : memref<4x8192x1024xf32, #tpu.memory_space<hbm>> -> memref<1x32x1024xf32, #tpu.memory_space<hbm>>
    %dma_wait3A_173 = tpu.memref_squeeze %dma_wait3A_172 : memref<1x32x1024xf32, #tpu.memory_space<hbm>> -> memref<32x1024xf32, #tpu.memory_space<hbm>>
    tpu.wait_dma2 semaphore(%arg11 : memref<!tpu.dma_semaphore, #tpu.memory_space<semaphore_mem>>) src(%arg5 : memref<32x1024xf32, #tpu.memory_space<vmem>>) dst(%dma_wait3A_173 : memref<32x1024xf32, #tpu.memory_space<hbm>>)
    %dma_wait3A_174 = arith.constant 3 : i32
    %dma_wait3A_175 = arith.constant 0 : i32
    %dma_wait3A_176 = tpu.memref_slice %arg3[%dma_wait3A_174, %add3A_152, %dma_wait3A_175] : memref<4x8192x1024xf32, #tpu.memory_space<hbm>> -> memref<1x32x1024xf32, #tpu.memory_space<hbm>>
    %dma_wait3A_177 = tpu.memref_squeeze %dma_wait3A_176 : memref<1x32x1024xf32, #tpu.memory_space<hbm>> -> memref<32x1024xf32, #tpu.memory_space<hbm>>
    %dma_wait3A_178 = arith.constant 0 : i32
    %dma_wait3A_179 = tpu.memref_slice %arg3[%dma_wait3A_174, %add3A_152, %dma_wait3A_178] : memref<4x8192x1024xf32, #tpu.memory_space<hbm>> -> memref<1x32x1024xf32, #tpu.memory_space<hbm>>
    %dma_wait3A_180 = tpu.memref_squeeze %dma_wait3A_179 : memref<1x32x1024xf32, #tpu.memory_space<hbm>> -> memref<32x1024xf32, #tpu.memory_space<hbm>>
    tpu.wait_dma2 semaphore(%arg11 : memref<!tpu.dma_semaphore, #tpu.memory_space<semaphore_mem>>) src(%arg5 : memref<32x1024xf32, #tpu.memory_space<vmem>>) dst(%dma_wait3A_180 : memref<32x1024xf32, #tpu.memory_space<hbm>>)
    %add3A_181 = arith.constant 128 : i32
    %add3A_182 = arith.addi %mul3A_2, %add3A_181 : i32
    %dma_start3A_183 = arith.constant 0 : i32
    %dma_start3A_184 = tpu.memref_slice %arg2[%add3A_182, %dma_start3A_183] : memref<8192x1024xf32, #tpu.memory_space<hbm>> -> memref<32x1024xf32, #tpu.memory_space<hbm>>
    %dma_start3A_185 = arith.constant 0 : i32
    %dma_start3A_186 = tpu.memref_slice %arg2[%add3A_182, %dma_start3A_185] : memref<8192x1024xf32, #tpu.memory_space<hbm>> -> memref<32x1024xf32, #tpu.memory_space<hbm>>
    tpu.enqueue_dma source(%dma_start3A_186 : memref<32x1024xf32, #tpu.memory_space<hbm>>) target(%arg5 : memref<32x1024xf32, #tpu.memory_space<vmem>>) target_semaphore(%arg8 : memref<!tpu.dma_semaphore, #tpu.memory_space<semaphore_mem>>)
    %add3A_187 = arith.constant 64 : i32
    %add3A_188 = arith.addi %mul3A_2, %add3A_187 : i32
    %dma_wait3A_189 = arith.constant 0 : i32
    %dma_wait3A_190 = tpu.memref_slice %arg2[%add3A_188, %dma_wait3A_189] : memref<8192x1024xf32, #tpu.memory_space<hbm>> -> memref<32x1024xf32, #tpu.memory_space<hbm>>
    %dma_wait3A_191 = arith.constant 0 : i32
    %dma_wait3A_192 = tpu.memref_slice %arg2[%add3A_188, %dma_wait3A_191] : memref<8192x1024xf32, #tpu.memory_space<hbm>> -> memref<32x1024xf32, #tpu.memory_space<hbm>>
    tpu.wait_dma2 semaphore(%arg9 : memref<!tpu.dma_semaphore, #tpu.memory_space<semaphore_mem>>) src(%dma_wait3A_192 : memref<32x1024xf32, #tpu.memory_space<hbm>>) dst(%arg6 : memref<32x1024xf32, #tpu.memory_space<vmem>>)
    %add3A_193 = arith.constant 64 : i32
    %add3A_194 = arith.addi %mul3A_2, %add3A_193 : i32
    %add3A_195 = arith.constant 64 : i32
    %add3A_196 = arith.addi %mul3A_2, %add3A_195 : i32
    %add3A_197 = arith.constant 64 : i32
    %add3A_198 = arith.addi %mul3A_2, %add3A_197 : i32
    %add3A_199 = arith.constant 64 : i32
    %add3A_200 = arith.addi %mul3A_2, %add3A_199 : i32
    %dma_start3A_201 = arith.constant 0 : i32
    %dma_start3A_202 = arith.constant 0 : i32
    %dma_start3A_203 = tpu.memref_slice %arg3[%dma_start3A_201, %add3A_194, %dma_start3A_202] : memref<4x8192x1024xf32, #tpu.memory_space<hbm>> -> memref<1x32x1024xf32, #tpu.memory_space<hbm>>
    %dma_start3A_204 = tpu.memref_squeeze %dma_start3A_203 : memref<1x32x1024xf32, #tpu.memory_space<hbm>> -> memref<32x1024xf32, #tpu.memory_space<hbm>>
    %dma_start3A_205 = arith.constant 0 : i32
    %dma_start3A_206 = tpu.memref_slice %arg3[%dma_start3A_201, %add3A_194, %dma_start3A_205] : memref<4x8192x1024xf32, #tpu.memory_space<hbm>> -> memref<1x32x1024xf32, #tpu.memory_space<hbm>>
    %dma_start3A_207 = tpu.memref_squeeze %dma_start3A_206 : memref<1x32x1024xf32, #tpu.memory_space<hbm>> -> memref<32x1024xf32, #tpu.memory_space<hbm>>
    tpu.enqueue_dma source(%arg6 : memref<32x1024xf32, #tpu.memory_space<vmem>>) target(%dma_start3A_207 : memref<32x1024xf32, #tpu.memory_space<hbm>>) target_semaphore(%arg12 : memref<!tpu.dma_semaphore, #tpu.memory_space<semaphore_mem>>)
    %dma_start3A_208 = arith.constant 1 : i32
    %dma_start3A_209 = arith.constant 0 : i32
    %dma_start3A_210 = tpu.memref_slice %arg3[%dma_start3A_208, %add3A_196, %dma_start3A_209] : memref<4x8192x1024xf32, #tpu.memory_space<hbm>> -> memref<1x32x1024xf32, #tpu.memory_space<hbm>>
    %dma_start3A_211 = tpu.memref_squeeze %dma_start3A_210 : memref<1x32x1024xf32, #tpu.memory_space<hbm>> -> memref<32x1024xf32, #tpu.memory_space<hbm>>
    %dma_start3A_212 = arith.constant 0 : i32
    %dma_start3A_213 = tpu.memref_slice %arg3[%dma_start3A_208, %add3A_196, %dma_start3A_212] : memref<4x8192x1024xf32, #tpu.memory_space<hbm>> -> memref<1x32x1024xf32, #tpu.memory_space<hbm>>
    %dma_start3A_214 = tpu.memref_squeeze %dma_start3A_213 : memref<1x32x1024xf32, #tpu.memory_space<hbm>> -> memref<32x1024xf32, #tpu.memory_space<hbm>>
    tpu.enqueue_dma source(%arg6 : memref<32x1024xf32, #tpu.memory_space<vmem>>) target(%dma_start3A_214 : memref<32x1024xf32, #tpu.memory_space<hbm>>) target_semaphore(%arg12 : memref<!tpu.dma_semaphore, #tpu.memory_space<semaphore_mem>>)
    %dma_start3A_215 = arith.constant 2 : i32
    %dma_start3A_216 = arith.constant 0 : i32
    %dma_start3A_217 = tpu.memref_slice %arg3[%dma_start3A_215, %add3A_198, %dma_start3A_216] : memref<4x8192x1024xf32, #tpu.memory_space<hbm>> -> memref<1x32x1024xf32, #tpu.memory_space<hbm>>
    %dma_start3A_218 = tpu.memref_squeeze %dma_start3A_217 : memref<1x32x1024xf32, #tpu.memory_space<hbm>> -> memref<32x1024xf32, #tpu.memory_space<hbm>>
    %dma_start3A_219 = arith.constant 0 : i32
    %dma_start3A_220 = tpu.memref_slice %arg3[%dma_start3A_215, %add3A_198, %dma_start3A_219] : memref<4x8192x1024xf32, #tpu.memory_space<hbm>> -> memref<1x32x1024xf32, #tpu.memory_space<hbm>>
    %dma_start3A_221 = tpu.memref_squeeze %dma_start3A_220 : memref<1x32x1024xf32, #tpu.memory_space<hbm>> -> memref<32x1024xf32, #tpu.memory_space<hbm>>
    tpu.enqueue_dma source(%arg6 : memref<32x1024xf32, #tpu.memory_space<vmem>>) target(%dma_start3A_221 : memref<32x1024xf32, #tpu.memory_space<hbm>>) target_semaphore(%arg12 : memref<!tpu.dma_semaphore, #tpu.memory_space<semaphore_mem>>)
    %dma_start3A_222 = arith.constant 3 : i32
    %dma_start3A_223 = arith.constant 0 : i32
    %dma_start3A_224 = tpu.memref_slice %arg3[%dma_start3A_222, %add3A_200, %dma_start3A_223] : memref<4x8192x1024xf32, #tpu.memory_space<hbm>> -> memref<1x32x1024xf32, #tpu.memory_space<hbm>>
    %dma_start3A_225 = tpu.memref_squeeze %dma_start3A_224 : memref<1x32x1024xf32, #tpu.memory_space<hbm>> -> memref<32x1024xf32, #tpu.memory_space<hbm>>
    %dma_start3A_226 = arith.constant 0 : i32
    %dma_start3A_227 = tpu.memref_slice %arg3[%dma_start3A_222, %add3A_200, %dma_start3A_226] : memref<4x8192x1024xf32, #tpu.memory_space<hbm>> -> memref<1x32x1024xf32, #tpu.memory_space<hbm>>
    %dma_start3A_228 = tpu.memref_squeeze %dma_start3A_227 : memref<1x32x1024xf32, #tpu.memory_space<hbm>> -> memref<32x1024xf32, #tpu.memory_space<hbm>>
    tpu.enqueue_dma source(%arg6 : memref<32x1024xf32, #tpu.memory_space<vmem>>) target(%dma_start3A_228 : memref<32x1024xf32, #tpu.memory_space<hbm>>) target_semaphore(%arg12 : memref<!tpu.dma_semaphore, #tpu.memory_space<semaphore_mem>>)
    %add3A_229 = arith.constant 64 : i32
    %add3A_230 = arith.addi %mul3A_2, %add3A_229 : i32
    %add3A_231 = arith.constant 64 : i32
    %add3A_232 = arith.addi %mul3A_2, %add3A_231 : i32
    %add3A_233 = arith.constant 64 : i32
    %add3A_234 = arith.addi %mul3A_2, %add3A_233 : i32
    %add3A_235 = arith.constant 64 : i32
    %add3A_236 = arith.addi %mul3A_2, %add3A_235 : i32
    %dma_wait3A_237 = arith.constant 0 : i32
    %dma_wait3A_238 = arith.constant 0 : i32
    %dma_wait3A_239 = tpu.memref_slice %arg3[%dma_wait3A_237, %add3A_230, %dma_wait3A_238] : memref<4x8192x1024xf32, #tpu.memory_space<hbm>> -> memref<1x32x1024xf32, #tpu.memory_space<hbm>>
    %dma_wait3A_240 = tpu.memref_squeeze %dma_wait3A_239 : memref<1x32x1024xf32, #tpu.memory_space<hbm>> -> memref<32x1024xf32, #tpu.memory_space<hbm>>
    %dma_wait3A_241 = arith.constant 0 : i32
    %dma_wait3A_242 = tpu.memref_slice %arg3[%dma_wait3A_237, %add3A_230, %dma_wait3A_241] : memref<4x8192x1024xf32, #tpu.memory_space<hbm>> -> memref<1x32x1024xf32, #tpu.memory_space<hbm>>
    %dma_wait3A_243 = tpu.memref_squeeze %dma_wait3A_242 : memref<1x32x1024xf32, #tpu.memory_space<hbm>> -> memref<32x1024xf32, #tpu.memory_space<hbm>>
    tpu.wait_dma2 semaphore(%arg12 : memref<!tpu.dma_semaphore, #tpu.memory_space<semaphore_mem>>) src(%arg6 : memref<32x1024xf32, #tpu.memory_space<vmem>>) dst(%dma_wait3A_243 : memref<32x1024xf32, #tpu.memory_space<hbm>>)
    %dma_wait3A_244 = arith.constant 1 : i32
    %dma_wait3A_245 = arith.constant 0 : i32
    %dma_wait3A_246 = tpu.memref_slice %arg3[%dma_wait3A_244, %add3A_232, %dma_wait3A_245] : memref<4x8192x1024xf32, #tpu.memory_space<hbm>> -> memref<1x32x1024xf32, #tpu.memory_space<hbm>>
    %dma_wait3A_247 = tpu.memref_squeeze %dma_wait3A_246 : memref<1x32x1024xf32, #tpu.memory_space<hbm>> -> memref<32x1024xf32, #tpu.memory_space<hbm>>
    %dma_wait3A_248 = arith.constant 0 : i32
    %dma_wait3A_249 = tpu.memref_slice %arg3[%dma_wait3A_244, %add3A_232, %dma_wait3A_248] : memref<4x8192x1024xf32, #tpu.memory_space<hbm>> -> memref<1x32x1024xf32, #tpu.memory_space<hbm>>
    %dma_wait3A_250 = tpu.memref_squeeze %dma_wait3A_249 : memref<1x32x1024xf32, #tpu.memory_space<hbm>> -> memref<32x1024xf32, #tpu.memory_space<hbm>>
    tpu.wait_dma2 semaphore(%arg12 : memref<!tpu.dma_semaphore, #tpu.memory_space<semaphore_mem>>) src(%arg6 : memref<32x1024xf32, #tpu.memory_space<vmem>>) dst(%dma_wait3A_250 : memref<32x1024xf32, #tpu.memory_space<hbm>>)
    %dma_wait3A_251 = arith.constant 2 : i32
    %dma_wait3A_252 = arith.constant 0 : i32
    %dma_wait3A_253 = tpu.memref_slice %arg3[%dma_wait3A_251, %add3A_234, %dma_wait3A_252] : memref<4x8192x1024xf32, #tpu.memory_space<hbm>> -> memref<1x32x1024xf32, #tpu.memory_space<hbm>>
    %dma_wait3A_254 = tpu.memref_squeeze %dma_wait3A_253 : memref<1x32x1024xf32, #tpu.memory_space<hbm>> -> memref<32x1024xf32, #tpu.memory_space<hbm>>
    %dma_wait3A_255 = arith.constant 0 : i32
    %dma_wait3A_256 = tpu.memref_slice %arg3[%dma_wait3A_251, %add3A_234, %dma_wait3A_255] : memref<4x8192x1024xf32, #tpu.memory_space<hbm>> -> memref<1x32x1024xf32, #tpu.memory_space<hbm>>
    %dma_wait3A_257 = tpu.memref_squeeze %dma_wait3A_256 : memref<1x32x1024xf32, #tpu.memory_space<hbm>> -> memref<32x1024xf32, #tpu.memory_space<hbm>>
    tpu.wait_dma2 semaphore(%arg12 : memref<!tpu.dma_semaphore, #tpu.memory_space<semaphore_mem>>) src(%arg6 : memref<32x1024xf32, #tpu.memory_space<vmem>>) dst(%dma_wait3A_257 : memref<32x1024xf32, #tpu.memory_space<hbm>>)
    %dma_wait3A_258 = arith.constant 3 : i32
    %dma_wait3A_259 = arith.constant 0 : i32
    %dma_wait3A_260 = tpu.memref_slice %arg3[%dma_wait3A_258, %add3A_236, %dma_wait3A_259] : memref<4x8192x1024xf32, #tpu.memory_space<hbm>> -> memref<1x32x1024xf32, #tpu.memory_space<hbm>>
    %dma_wait3A_261 = tpu.memref_squeeze %dma_wait3A_260 : memref<1x32x1024xf32, #tpu.memory_space<hbm>> -> memref<32x1024xf32, #tpu.memory_space<hbm>>
    %dma_wait3A_262 = arith.constant 0 : i32
    %dma_wait3A_263 = tpu.memref_slice %arg3[%dma_wait3A_258, %add3A_236, %dma_wait3A_262] : memref<4x8192x1024xf32, #tpu.memory_space<hbm>> -> memref<1x32x1024xf32, #tpu.memory_space<hbm>>
    %dma_wait3A_264 = tpu.memref_squeeze %dma_wait3A_263 : memref<1x32x1024xf32, #tpu.memory_space<hbm>> -> memref<32x1024xf32, #tpu.memory_space<hbm>>
    tpu.wait_dma2 semaphore(%arg12 : memref<!tpu.dma_semaphore, #tpu.memory_space<semaphore_mem>>) src(%arg6 : memref<32x1024xf32, #tpu.memory_space<vmem>>) dst(%dma_wait3A_264 : memref<32x1024xf32, #tpu.memory_space<hbm>>)
    %add3A_265 = arith.constant 160 : i32
    %add3A_266 = arith.addi %mul3A_2, %add3A_265 : i32
    %dma_start3A_267 = arith.constant 0 : i32
    %dma_start3A_268 = tpu.memref_slice %arg2[%add3A_266, %dma_start3A_267] : memref<8192x1024xf32, #tpu.memory_space<hbm>> -> memref<32x1024xf32, #tpu.memory_space<hbm>>
    %dma_start3A_269 = arith.constant 0 : i32
    %dma_start3A_270 = tpu.memref_slice %arg2[%add3A_266, %dma_start3A_269] : memref<8192x1024xf32, #tpu.memory_space<hbm>> -> memref<32x1024xf32, #tpu.memory_space<hbm>>
    tpu.enqueue_dma source(%dma_start3A_270 : memref<32x1024xf32, #tpu.memory_space<hbm>>) target(%arg6 : memref<32x1024xf32, #tpu.memory_space<vmem>>) target_semaphore(%arg9 : memref<!tpu.dma_semaphore, #tpu.memory_space<semaphore_mem>>)
    %add3A_271 = arith.constant 96 : i32
    %add3A_272 = arith.addi %mul3A_2, %add3A_271 : i32
    %dma_wait3A_273 = arith.constant 0 : i32
    %dma_wait3A_274 = tpu.memref_slice %arg2[%add3A_272, %dma_wait3A_273] : memref<8192x1024xf32, #tpu.memory_space<hbm>> -> memref<32x1024xf32, #tpu.memory_space<hbm>>
    %dma_wait3A_275 = arith.constant 0 : i32
    %dma_wait3A_276 = tpu.memref_slice %arg2[%add3A_272, %dma_wait3A_275] : memref<8192x1024xf32, #tpu.memory_space<hbm>> -> memref<32x1024xf32, #tpu.memory_space<hbm>>
    tpu.wait_dma2 semaphore(%arg7 : memref<!tpu.dma_semaphore, #tpu.memory_space<semaphore_mem>>) src(%dma_wait3A_276 : memref<32x1024xf32, #tpu.memory_space<hbm>>) dst(%arg4 : memref<32x1024xf32, #tpu.memory_space<vmem>>)
    %add3A_277 = arith.constant 96 : i32
    %add3A_278 = arith.addi %mul3A_2, %add3A_277 : i32
    %add3A_279 = arith.constant 96 : i32
    %add3A_280 = arith.addi %mul3A_2, %add3A_279 : i32
    %add3A_281 = arith.constant 96 : i32
    %add3A_282 = arith.addi %mul3A_2, %add3A_281 : i32
    %add3A_283 = arith.constant 96 : i32
    %add3A_284 = arith.addi %mul3A_2, %add3A_283 : i32
    %dma_start3A_285 = arith.constant 0 : i32
    %dma_start3A_286 = arith.constant 0 : i32
    %dma_start3A_287 = tpu.memref_slice %arg3[%dma_start3A_285, %add3A_278, %dma_start3A_286] : memref<4x8192x1024xf32, #tpu.memory_space<hbm>> -> memref<1x32x1024xf32, #tpu.memory_space<hbm>>
    %dma_start3A_288 = tpu.memref_squeeze %dma_start3A_287 : memref<1x32x1024xf32, #tpu.memory_space<hbm>> -> memref<32x1024xf32, #tpu.memory_space<hbm>>
    %dma_start3A_289 = arith.constant 0 : i32
    %dma_start3A_290 = tpu.memref_slice %arg3[%dma_start3A_285, %add3A_278, %dma_start3A_289] : memref<4x8192x1024xf32, #tpu.memory_space<hbm>> -> memref<1x32x1024xf32, #tpu.memory_space<hbm>>
    %dma_start3A_291 = tpu.memref_squeeze %dma_start3A_290 : memref<1x32x1024xf32, #tpu.memory_space<hbm>> -> memref<32x1024xf32, #tpu.memory_space<hbm>>
    tpu.enqueue_dma source(%arg4 : memref<32x1024xf32, #tpu.memory_space<vmem>>) target(%dma_start3A_291 : memref<32x1024xf32, #tpu.memory_space<hbm>>) target_semaphore(%arg10 : memref<!tpu.dma_semaphore, #tpu.memory_space<semaphore_mem>>)
    %dma_start3A_292 = arith.constant 1 : i32
    %dma_start3A_293 = arith.constant 0 : i32
    %dma_start3A_294 = tpu.memref_slice %arg3[%dma_start3A_292, %add3A_280, %dma_start3A_293] : memref<4x8192x1024xf32, #tpu.memory_space<hbm>> -> memref<1x32x1024xf32, #tpu.memory_space<hbm>>
    %dma_start3A_295 = tpu.memref_squeeze %dma_start3A_294 : memref<1x32x1024xf32, #tpu.memory_space<hbm>> -> memref<32x1024xf32, #tpu.memory_space<hbm>>
    %dma_start3A_296 = arith.constant 0 : i32
    %dma_start3A_297 = tpu.memref_slice %arg3[%dma_start3A_292, %add3A_280, %dma_start3A_296] : memref<4x8192x1024xf32, #tpu.memory_space<hbm>> -> memref<1x32x1024xf32, #tpu.memory_space<hbm>>
    %dma_start3A_298 = tpu.memref_squeeze %dma_start3A_297 : memref<1x32x1024xf32, #tpu.memory_space<hbm>> -> memref<32x1024xf32, #tpu.memory_space<hbm>>
    tpu.enqueue_dma source(%arg4 : memref<32x1024xf32, #tpu.memory_space<vmem>>) target(%dma_start3A_298 : memref<32x1024xf32, #tpu.memory_space<hbm>>) target_semaphore(%arg10 : memref<!tpu.dma_semaphore, #tpu.memory_space<semaphore_mem>>)
    %dma_start3A_299 = arith.constant 2 : i32
    %dma_start3A_300 = arith.constant 0 : i32
    %dma_start3A_301 = tpu.memref_slice %arg3[%dma_start3A_299, %add3A_282, %dma_start3A_300] : memref<4x8192x1024xf32, #tpu.memory_space<hbm>> -> memref<1x32x1024xf32, #tpu.memory_space<hbm>>
    %dma_start3A_302 = tpu.memref_squeeze %dma_start3A_301 : memref<1x32x1024xf32, #tpu.memory_space<hbm>> -> memref<32x1024xf32, #tpu.memory_space<hbm>>
    %dma_start3A_303 = arith.constant 0 : i32
    %dma_start3A_304 = tpu.memref_slice %arg3[%dma_start3A_299, %add3A_282, %dma_start3A_303] : memref<4x8192x1024xf32, #tpu.memory_space<hbm>> -> memref<1x32x1024xf32, #tpu.memory_space<hbm>>
    %dma_start3A_305 = tpu.memref_squeeze %dma_start3A_304 : memref<1x32x1024xf32, #tpu.memory_space<hbm>> -> memref<32x1024xf32, #tpu.memory_space<hbm>>
    tpu.enqueue_dma source(%arg4 : memref<32x1024xf32, #tpu.memory_space<vmem>>) target(%dma_start3A_305 : memref<32x1024xf32, #tpu.memory_space<hbm>>) target_semaphore(%arg10 : memref<!tpu.dma_semaphore, #tpu.memory_space<semaphore_mem>>)
    %dma_start3A_306 = arith.constant 3 : i32
    %dma_start3A_307 = arith.constant 0 : i32
    %dma_start3A_308 = tpu.memref_slice %arg3[%dma_start3A_306, %add3A_284, %dma_start3A_307] : memref<4x8192x1024xf32, #tpu.memory_space<hbm>> -> memref<1x32x1024xf32, #tpu.memory_space<hbm>>
    %dma_start3A_309 = tpu.memref_squeeze %dma_start3A_308 : memref<1x32x1024xf32, #tpu.memory_space<hbm>> -> memref<32x1024xf32, #tpu.memory_space<hbm>>
    %dma_start3A_310 = arith.constant 0 : i32
    %dma_start3A_311 = tpu.memref_slice %arg3[%dma_start3A_306, %add3A_284, %dma_start3A_310] : memref<4x8192x1024xf32, #tpu.memory_space<hbm>> -> memref<1x32x1024xf32, #tpu.memory_space<hbm>>
    %dma_start3A_312 = tpu.memref_squeeze %dma_start3A_311 : memref<1x32x1024xf32, #tpu.memory_space<hbm>> -> memref<32x1024xf32, #tpu.memory_space<hbm>>
    tpu.enqueue_dma source(%arg4 : memref<32x1024xf32, #tpu.memory_space<vmem>>) target(%dma_start3A_312 : memref<32x1024xf32, #tpu.memory_space<hbm>>) target_semaphore(%arg10 : memref<!tpu.dma_semaphore, #tpu.memory_space<semaphore_mem>>)
    %add3A_313 = arith.constant 96 : i32
    %add3A_314 = arith.addi %mul3A_2, %add3A_313 : i32
    %add3A_315 = arith.constant 96 : i32
    %add3A_316 = arith.addi %mul3A_2, %add3A_315 : i32
    %add3A_317 = arith.constant 96 : i32
    %add3A_318 = arith.addi %mul3A_2, %add3A_317 : i32
    %add3A_319 = arith.constant 96 : i32
    %add3A_320 = arith.addi %mul3A_2, %add3A_319 : i32
    %dma_wait3A_321 = arith.constant 0 : i32
    %dma_wait3A_322 = arith.constant 0 : i32
    %dma_wait3A_323 = tpu.memref_slice %arg3[%dma_wait3A_321, %add3A_314, %dma_wait3A_322] : memref<4x8192x1024xf32, #tpu.memory_space<hbm>> -> memref<1x32x1024xf32, #tpu.memory_space<hbm>>
    %dma_wait3A_324 = tpu.memref_squeeze %dma_wait3A_323 : memref<1x32x1024xf32, #tpu.memory_space<hbm>> -> memref<32x1024xf32, #tpu.memory_space<hbm>>
    %dma_wait3A_325 = arith.constant 0 : i32
    %dma_wait3A_326 = tpu.memref_slice %arg3[%dma_wait3A_321, %add3A_314, %dma_wait3A_325] : memref<4x8192x1024xf32, #tpu.memory_space<hbm>> -> memref<1x32x1024xf32, #tpu.memory_space<hbm>>
    %dma_wait3A_327 = tpu.memref_squeeze %dma_wait3A_326 : memref<1x32x1024xf32, #tpu.memory_space<hbm>> -> memref<32x1024xf32, #tpu.memory_space<hbm>>
    tpu.wait_dma2 semaphore(%arg10 : memref<!tpu.dma_semaphore, #tpu.memory_space<semaphore_mem>>) src(%arg4 : memref<32x1024xf32, #tpu.memory_space<vmem>>) dst(%dma_wait3A_327 : memref<32x1024xf32, #tpu.memory_space<hbm>>)
    %dma_wait3A_328 = arith.constant 1 : i32
    %dma_wait3A_329 = arith.constant 0 : i32
    %dma_wait3A_330 = tpu.memref_slice %arg3[%dma_wait3A_328, %add3A_316, %dma_wait3A_329] : memref<4x8192x1024xf32, #tpu.memory_space<hbm>> -> memref<1x32x1024xf32, #tpu.memory_space<hbm>>
    %dma_wait3A_331 = tpu.memref_squeeze %dma_wait3A_330 : memref<1x32x1024xf32, #tpu.memory_space<hbm>> -> memref<32x1024xf32, #tpu.memory_space<hbm>>
    %dma_wait3A_332 = arith.constant 0 : i32
    %dma_wait3A_333 = tpu.memref_slice %arg3[%dma_wait3A_328, %add3A_316, %dma_wait3A_332] : memref<4x8192x1024xf32, #tpu.memory_space<hbm>> -> memref<1x32x1024xf32, #tpu.memory_space<hbm>>
    %dma_wait3A_334 = tpu.memref_squeeze %dma_wait3A_333 : memref<1x32x1024xf32, #tpu.memory_space<hbm>> -> memref<32x1024xf32, #tpu.memory_space<hbm>>
    tpu.wait_dma2 semaphore(%arg10 : memref<!tpu.dma_semaphore, #tpu.memory_space<semaphore_mem>>) src(%arg4 : memref<32x1024xf32, #tpu.memory_space<vmem>>) dst(%dma_wait3A_334 : memref<32x1024xf32, #tpu.memory_space<hbm>>)
    %dma_wait3A_335 = arith.constant 2 : i32
    %dma_wait3A_336 = arith.constant 0 : i32
    %dma_wait3A_337 = tpu.memref_slice %arg3[%dma_wait3A_335, %add3A_318, %dma_wait3A_336] : memref<4x8192x1024xf32, #tpu.memory_space<hbm>> -> memref<1x32x1024xf32, #tpu.memory_space<hbm>>
    %dma_wait3A_338 = tpu.memref_squeeze %dma_wait3A_337 : memref<1x32x1024xf32, #tpu.memory_space<hbm>> -> memref<32x1024xf32, #tpu.memory_space<hbm>>
    %dma_wait3A_339 = arith.constant 0 : i32
    %dma_wait3A_340 = tpu.memref_slice %arg3[%dma_wait3A_335, %add3A_318, %dma_wait3A_339] : memref<4x8192x1024xf32, #tpu.memory_space<hbm>> -> memref<1x32x1024xf32, #tpu.memory_space<hbm>>
    %dma_wait3A_341 = tpu.memref_squeeze %dma_wait3A_340 : memref<1x32x1024xf32, #tpu.memory_space<hbm>> -> memref<32x1024xf32, #tpu.memory_space<hbm>>
    tpu.wait_dma2 semaphore(%arg10 : memref<!tpu.dma_semaphore, #tpu.memory_space<semaphore_mem>>) src(%arg4 : memref<32x1024xf32, #tpu.memory_space<vmem>>) dst(%dma_wait3A_341 : memref<32x1024xf32, #tpu.memory_space<hbm>>)
    %dma_wait3A_342 = arith.constant 3 : i32
    %dma_wait3A_343 = arith.constant 0 : i32
    %dma_wait3A_344 = tpu.memref_slice %arg3[%dma_wait3A_342, %add3A_320, %dma_wait3A_343] : memref<4x8192x1024xf32, #tpu.memory_space<hbm>> -> memref<1x32x1024xf32, #tpu.memory_space<hbm>>
    %dma_wait3A_345 = tpu.memref_squeeze %dma_wait3A_344 : memref<1x32x1024xf32, #tpu.memory_space<hbm>> -> memref<32x1024xf32, #tpu.memory_space<hbm>>
    %dma_wait3A_346 = arith.constant 0 : i32
    %dma_wait3A_347 = tpu.memref_slice %arg3[%dma_wait3A_342, %add3A_320, %dma_wait3A_346] : memref<4x8192x1024xf32, #tpu.memory_space<hbm>> -> memref<1x32x1024xf32, #tpu.memory_space<hbm>>
    %dma_wait3A_348 = tpu.memref_squeeze %dma_wait3A_347 : memref<1x32x1024xf32, #tpu.memory_space<hbm>> -> memref<32x1024xf32, #tpu.memory_space<hbm>>
    tpu.wait_dma2 semaphore(%arg10 : memref<!tpu.dma_semaphore, #tpu.memory_space<semaphore_mem>>) src(%arg4 : memref<32x1024xf32, #tpu.memory_space<vmem>>) dst(%dma_wait3A_348 : memref<32x1024xf32, #tpu.memory_space<hbm>>)
    %add3A_349 = arith.constant 192 : i32
    %add3A_350 = arith.addi %mul3A_2, %add3A_349 : i32
    %dma_start3A_351 = arith.constant 0 : i32
    %dma_start3A_352 = tpu.memref_slice %arg2[%add3A_350, %dma_start3A_351] : memref<8192x1024xf32, #tpu.memory_space<hbm>> -> memref<32x1024xf32, #tpu.memory_space<hbm>>
    %dma_start3A_353 = arith.constant 0 : i32
    %dma_start3A_354 = tpu.memref_slice %arg2[%add3A_350, %dma_start3A_353] : memref<8192x1024xf32, #tpu.memory_space<hbm>> -> memref<32x1024xf32, #tpu.memory_space<hbm>>
    tpu.enqueue_dma source(%dma_start3A_354 : memref<32x1024xf32, #tpu.memory_space<hbm>>) target(%arg4 : memref<32x1024xf32, #tpu.memory_space<vmem>>) target_semaphore(%arg7 : memref<!tpu.dma_semaphore, #tpu.memory_space<semaphore_mem>>)
    %add3A_355 = arith.constant 128 : i32
    %add3A_356 = arith.addi %mul3A_2, %add3A_355 : i32
    %dma_wait3A_357 = arith.constant 0 : i32
    %dma_wait3A_358 = tpu.memref_slice %arg2[%add3A_356, %dma_wait3A_357] : memref<8192x1024xf32, #tpu.memory_space<hbm>> -> memref<32x1024xf32, #tpu.memory_space<hbm>>
    %dma_wait3A_359 = arith.constant 0 : i32
    %dma_wait3A_360 = tpu.memref_slice %arg2[%add3A_356, %dma_wait3A_359] : memref<8192x1024xf32, #tpu.memory_space<hbm>> -> memref<32x1024xf32, #tpu.memory_space<hbm>>
    tpu.wait_dma2 semaphore(%arg8 : memref<!tpu.dma_semaphore, #tpu.memory_space<semaphore_mem>>) src(%dma_wait3A_360 : memref<32x1024xf32, #tpu.memory_space<hbm>>) dst(%arg5 : memref<32x1024xf32, #tpu.memory_space<vmem>>)
    %add3A_361 = arith.constant 128 : i32
    %add3A_362 = arith.addi %mul3A_2, %add3A_361 : i32
    %add3A_363 = arith.constant 128 : i32
    %add3A_364 = arith.addi %mul3A_2, %add3A_363 : i32
    %add3A_365 = arith.constant 128 : i32
    %add3A_366 = arith.addi %mul3A_2, %add3A_365 : i32
    %add3A_367 = arith.constant 128 : i32
    %add3A_368 = arith.addi %mul3A_2, %add3A_367 : i32
    %dma_start3A_369 = arith.constant 0 : i32
    %dma_start3A_370 = arith.constant 0 : i32
    %dma_start3A_371 = tpu.memref_slice %arg3[%dma_start3A_369, %add3A_362, %dma_start3A_370] : memref<4x8192x1024xf32, #tpu.memory_space<hbm>> -> memref<1x32x1024xf32, #tpu.memory_space<hbm>>
    %dma_start3A_372 = tpu.memref_squeeze %dma_start3A_371 : memref<1x32x1024xf32, #tpu.memory_space<hbm>> -> memref<32x1024xf32, #tpu.memory_space<hbm>>
    %dma_start3A_373 = arith.constant 0 : i32
    %dma_start3A_374 = tpu.memref_slice %arg3[%dma_start3A_369, %add3A_362, %dma_start3A_373] : memref<4x8192x1024xf32, #tpu.memory_space<hbm>> -> memref<1x32x1024xf32, #tpu.memory_space<hbm>>
    %dma_start3A_375 = tpu.memref_squeeze %dma_start3A_374 : memref<1x32x1024xf32, #tpu.memory_space<hbm>> -> memref<32x1024xf32, #tpu.memory_space<hbm>>
    tpu.enqueue_dma source(%arg5 : memref<32x1024xf32, #tpu.memory_space<vmem>>) target(%dma_start3A_375 : memref<32x1024xf32, #tpu.memory_space<hbm>>) target_semaphore(%arg11 : memref<!tpu.dma_semaphore, #tpu.memory_space<semaphore_mem>>)
    %dma_start3A_376 = arith.constant 1 : i32
    %dma_start3A_377 = arith.constant 0 : i32
    %dma_start3A_378 = tpu.memref_slice %arg3[%dma_start3A_376, %add3A_364, %dma_start3A_377] : memref<4x8192x1024xf32, #tpu.memory_space<hbm>> -> memref<1x32x1024xf32, #tpu.memory_space<hbm>>
    %dma_start3A_379 = tpu.memref_squeeze %dma_start3A_378 : memref<1x32x1024xf32, #tpu.memory_space<hbm>> -> memref<32x1024xf32, #tpu.memory_space<hbm>>
    %dma_start3A_380 = arith.constant 0 : i32
    %dma_start3A_381 = tpu.memref_slice %arg3[%dma_start3A_376, %add3A_364, %dma_start3A_380] : memref<4x8192x1024xf32, #tpu.memory_space<hbm>> -> memref<1x32x1024xf32, #tpu.memory_space<hbm>>
    %dma_start3A_382 = tpu.memref_squeeze %dma_start3A_381 : memref<1x32x1024xf32, #tpu.memory_space<hbm>> -> memref<32x1024xf32, #tpu.memory_space<hbm>>
    tpu.enqueue_dma source(%arg5 : memref<32x1024xf32, #tpu.memory_space<vmem>>) target(%dma_start3A_382 : memref<32x1024xf32, #tpu.memory_space<hbm>>) target_semaphore(%arg11 : memref<!tpu.dma_semaphore, #tpu.memory_space<semaphore_mem>>)
    %dma_start3A_383 = arith.constant 2 : i32
    %dma_start3A_384 = arith.constant 0 : i32
    %dma_start3A_385 = tpu.memref_slice %arg3[%dma_start3A_383, %add3A_366, %dma_start3A_384] : memref<4x8192x1024xf32, #tpu.memory_space<hbm>> -> memref<1x32x1024xf32, #tpu.memory_space<hbm>>
    %dma_start3A_386 = tpu.memref_squeeze %dma_start3A_385 : memref<1x32x1024xf32, #tpu.memory_space<hbm>> -> memref<32x1024xf32, #tpu.memory_space<hbm>>
    %dma_start3A_387 = arith.constant 0 : i32
    %dma_start3A_388 = tpu.memref_slice %arg3[%dma_start3A_383, %add3A_366, %dma_start3A_387] : memref<4x8192x1024xf32, #tpu.memory_space<hbm>> -> memref<1x32x1024xf32, #tpu.memory_space<hbm>>
    %dma_start3A_389 = tpu.memref_squeeze %dma_start3A_388 : memref<1x32x1024xf32, #tpu.memory_space<hbm>> -> memref<32x1024xf32, #tpu.memory_space<hbm>>
    tpu.enqueue_dma source(%arg5 : memref<32x1024xf32, #tpu.memory_space<vmem>>) target(%dma_start3A_389 : memref<32x1024xf32, #tpu.memory_space<hbm>>) target_semaphore(%arg11 : memref<!tpu.dma_semaphore, #tpu.memory_space<semaphore_mem>>)
    %dma_start3A_390 = arith.constant 3 : i32
    %dma_start3A_391 = arith.constant 0 : i32
    %dma_start3A_392 = tpu.memref_slice %arg3[%dma_start3A_390, %add3A_368, %dma_start3A_391] : memref<4x8192x1024xf32, #tpu.memory_space<hbm>> -> memref<1x32x1024xf32, #tpu.memory_space<hbm>>
    %dma_start3A_393 = tpu.memref_squeeze %dma_start3A_392 : memref<1x32x1024xf32, #tpu.memory_space<hbm>> -> memref<32x1024xf32, #tpu.memory_space<hbm>>
    %dma_start3A_394 = arith.constant 0 : i32
    %dma_start3A_395 = tpu.memref_slice %arg3[%dma_start3A_390, %add3A_368, %dma_start3A_394] : memref<4x8192x1024xf32, #tpu.memory_space<hbm>> -> memref<1x32x1024xf32, #tpu.memory_space<hbm>>
    %dma_start3A_396 = tpu.memref_squeeze %dma_start3A_395 : memref<1x32x1024xf32, #tpu.memory_space<hbm>> -> memref<32x1024xf32, #tpu.memory_space<hbm>>
    tpu.enqueue_dma source(%arg5 : memref<32x1024xf32, #tpu.memory_space<vmem>>) target(%dma_start3A_396 : memref<32x1024xf32, #tpu.memory_space<hbm>>) target_semaphore(%arg11 : memref<!tpu.dma_semaphore, #tpu.memory_space<semaphore_mem>>)
    %add3A_397 = arith.constant 128 : i32
    %add3A_398 = arith.addi %mul3A_2, %add3A_397 : i32
    %add3A_399 = arith.constant 128 : i32
    %add3A_400 = arith.addi %mul3A_2, %add3A_399 : i32
    %add3A_401 = arith.constant 128 : i32
    %add3A_402 = arith.addi %mul3A_2, %add3A_401 : i32
    %add3A_403 = arith.constant 128 : i32
    %add3A_404 = arith.addi %mul3A_2, %add3A_403 : i32
    %dma_wait3A_405 = arith.constant 0 : i32
    %dma_wait3A_406 = arith.constant 0 : i32
    %dma_wait3A_407 = tpu.memref_slice %arg3[%dma_wait3A_405, %add3A_398, %dma_wait3A_406] : memref<4x8192x1024xf32, #tpu.memory_space<hbm>> -> memref<1x32x1024xf32, #tpu.memory_space<hbm>>
    %dma_wait3A_408 = tpu.memref_squeeze %dma_wait3A_407 : memref<1x32x1024xf32, #tpu.memory_space<hbm>> -> memref<32x1024xf32, #tpu.memory_space<hbm>>
    %dma_wait3A_409 = arith.constant 0 : i32
    %dma_wait3A_410 = tpu.memref_slice %arg3[%dma_wait3A_405, %add3A_398, %dma_wait3A_409] : memref<4x8192x1024xf32, #tpu.memory_space<hbm>> -> memref<1x32x1024xf32, #tpu.memory_space<hbm>>
    %dma_wait3A_411 = tpu.memref_squeeze %dma_wait3A_410 : memref<1x32x1024xf32, #tpu.memory_space<hbm>> -> memref<32x1024xf32, #tpu.memory_space<hbm>>
    tpu.wait_dma2 semaphore(%arg11 : memref<!tpu.dma_semaphore, #tpu.memory_space<semaphore_mem>>) src(%arg5 : memref<32x1024xf32, #tpu.memory_space<vmem>>) dst(%dma_wait3A_411 : memref<32x1024xf32, #tpu.memory_space<hbm>>)
    %dma_wait3A_412 = arith.constant 1 : i32
    %dma_wait3A_413 = arith.constant 0 : i32
    %dma_wait3A_414 = tpu.memref_slice %arg3[%dma_wait3A_412, %add3A_400, %dma_wait3A_413] : memref<4x8192x1024xf32, #tpu.memory_space<hbm>> -> memref<1x32x1024xf32, #tpu.memory_space<hbm>>
    %dma_wait3A_415 = tpu.memref_squeeze %dma_wait3A_414 : memref<1x32x1024xf32, #tpu.memory_space<hbm>> -> memref<32x1024xf32, #tpu.memory_space<hbm>>
    %dma_wait3A_416 = arith.constant 0 : i32
    %dma_wait3A_417 = tpu.memref_slice %arg3[%dma_wait3A_412, %add3A_400, %dma_wait3A_416] : memref<4x8192x1024xf32, #tpu.memory_space<hbm>> -> memref<1x32x1024xf32, #tpu.memory_space<hbm>>
    %dma_wait3A_418 = tpu.memref_squeeze %dma_wait3A_417 : memref<1x32x1024xf32, #tpu.memory_space<hbm>> -> memref<32x1024xf32, #tpu.memory_space<hbm>>
    tpu.wait_dma2 semaphore(%arg11 : memref<!tpu.dma_semaphore, #tpu.memory_space<semaphore_mem>>) src(%arg5 : memref<32x1024xf32, #tpu.memory_space<vmem>>) dst(%dma_wait3A_418 : memref<32x1024xf32, #tpu.memory_space<hbm>>)
    %dma_wait3A_419 = arith.constant 2 : i32
    %dma_wait3A_420 = arith.constant 0 : i32
    %dma_wait3A_421 = tpu.memref_slice %arg3[%dma_wait3A_419, %add3A_402, %dma_wait3A_420] : memref<4x8192x1024xf32, #tpu.memory_space<hbm>> -> memref<1x32x1024xf32, #tpu.memory_space<hbm>>
    %dma_wait3A_422 = tpu.memref_squeeze %dma_wait3A_421 : memref<1x32x1024xf32, #tpu.memory_space<hbm>> -> memref<32x1024xf32, #tpu.memory_space<hbm>>
    %dma_wait3A_423 = arith.constant 0 : i32
    %dma_wait3A_424 = tpu.memref_slice %arg3[%dma_wait3A_419, %add3A_402, %dma_wait3A_423] : memref<4x8192x1024xf32, #tpu.memory_space<hbm>> -> memref<1x32x1024xf32, #tpu.memory_space<hbm>>
    %dma_wait3A_425 = tpu.memref_squeeze %dma_wait3A_424 : memref<1x32x1024xf32, #tpu.memory_space<hbm>> -> memref<32x1024xf32, #tpu.memory_space<hbm>>
    tpu.wait_dma2 semaphore(%arg11 : memref<!tpu.dma_semaphore, #tpu.memory_space<semaphore_mem>>) src(%arg5 : memref<32x1024xf32, #tpu.memory_space<vmem>>) dst(%dma_wait3A_425 : memref<32x1024xf32, #tpu.memory_space<hbm>>)
    %dma_wait3A_426 = arith.constant 3 : i32
    %dma_wait3A_427 = arith.constant 0 : i32
    %dma_wait3A_428 = tpu.memref_slice %arg3[%dma_wait3A_426, %add3A_404, %dma_wait3A_427] : memref<4x8192x1024xf32, #tpu.memory_space<hbm>> -> memref<1x32x1024xf32, #tpu.memory_space<hbm>>
    %dma_wait3A_429 = tpu.memref_squeeze %dma_wait3A_428 : memref<1x32x1024xf32, #tpu.memory_space<hbm>> -> memref<32x1024xf32, #tpu.memory_space<hbm>>
    %dma_wait3A_430 = arith.constant 0 : i32
    %dma_wait3A_431 = tpu.memref_slice %arg3[%dma_wait3A_426, %add3A_404, %dma_wait3A_430] : memref<4x8192x1024xf32, #tpu.memory_space<hbm>> -> memref<1x32x1024xf32, #tpu.memory_space<hbm>>
    %dma_wait3A_432 = tpu.memref_squeeze %dma_wait3A_431 : memref<1x32x1024xf32, #tpu.memory_space<hbm>> -> memref<32x1024xf32, #tpu.memory_space<hbm>>
    tpu.wait_dma2 semaphore(%arg11 : memref<!tpu.dma_semaphore, #tpu.memory_space<semaphore_mem>>) src(%arg5 : memref<32x1024xf32, #tpu.memory_space<vmem>>) dst(%dma_wait3A_432 : memref<32x1024xf32, #tpu.memory_space<hbm>>)
    %add3A_433 = arith.constant 224 : i32
    %add3A_434 = arith.addi %mul3A_2, %add3A_433 : i32
    %dma_start3A_435 = arith.constant 0 : i32
    %dma_start3A_436 = tpu.memref_slice %arg2[%add3A_434, %dma_start3A_435] : memref<8192x1024xf32, #tpu.memory_space<hbm>> -> memref<32x1024xf32, #tpu.memory_space<hbm>>
    %dma_start3A_437 = arith.constant 0 : i32
    %dma_start3A_438 = tpu.memref_slice %arg2[%add3A_434, %dma_start3A_437] : memref<8192x1024xf32, #tpu.memory_space<hbm>> -> memref<32x1024xf32, #tpu.memory_space<hbm>>
    tpu.enqueue_dma source(%dma_start3A_438 : memref<32x1024xf32, #tpu.memory_space<hbm>>) target(%arg5 : memref<32x1024xf32, #tpu.memory_space<vmem>>) target_semaphore(%arg8 : memref<!tpu.dma_semaphore, #tpu.memory_space<semaphore_mem>>)
    %add3A_439 = arith.constant 160 : i32
    %add3A_440 = arith.addi %mul3A_2, %add3A_439 : i32
    %dma_wait3A_441 = arith.constant 0 : i32
    %dma_wait3A_442 = tpu.memref_slice %arg2[%add3A_440, %dma_wait3A_441] : memref<8192x1024xf32, #tpu.memory_space<hbm>> -> memref<32x1024xf32, #tpu.memory_space<hbm>>
    %dma_wait3A_443 = arith.constant 0 : i32
    %dma_wait3A_444 = tpu.memref_slice %arg2[%add3A_440, %dma_wait3A_443] : memref<8192x1024xf32, #tpu.memory_space<hbm>> -> memref<32x1024xf32, #tpu.memory_space<hbm>>
    tpu.wait_dma2 semaphore(%arg9 : memref<!tpu.dma_semaphore, #tpu.memory_space<semaphore_mem>>) src(%dma_wait3A_444 : memref<32x1024xf32, #tpu.memory_space<hbm>>) dst(%arg6 : memref<32x1024xf32, #tpu.memory_space<vmem>>)
    %add3A_445 = arith.constant 160 : i32
    %add3A_446 = arith.addi %mul3A_2, %add3A_445 : i32
    %add3A_447 = arith.constant 160 : i32
    %add3A_448 = arith.addi %mul3A_2, %add3A_447 : i32
    %add3A_449 = arith.constant 160 : i32
    %add3A_450 = arith.addi %mul3A_2, %add3A_449 : i32
    %add3A_451 = arith.constant 160 : i32
    %add3A_452 = arith.addi %mul3A_2, %add3A_451 : i32
    %dma_start3A_453 = arith.constant 0 : i32
    %dma_start3A_454 = arith.constant 0 : i32
    %dma_start3A_455 = tpu.memref_slice %arg3[%dma_start3A_453, %add3A_446, %dma_start3A_454] : memref<4x8192x1024xf32, #tpu.memory_space<hbm>> -> memref<1x32x1024xf32, #tpu.memory_space<hbm>>
    %dma_start3A_456 = tpu.memref_squeeze %dma_start3A_455 : memref<1x32x1024xf32, #tpu.memory_space<hbm>> -> memref<32x1024xf32, #tpu.memory_space<hbm>>
    %dma_start3A_457 = arith.constant 0 : i32
    %dma_start3A_458 = tpu.memref_slice %arg3[%dma_start3A_453, %add3A_446, %dma_start3A_457] : memref<4x8192x1024xf32, #tpu.memory_space<hbm>> -> memref<1x32x1024xf32, #tpu.memory_space<hbm>>
    %dma_start3A_459 = tpu.memref_squeeze %dma_start3A_458 : memref<1x32x1024xf32, #tpu.memory_space<hbm>> -> memref<32x1024xf32, #tpu.memory_space<hbm>>
    tpu.enqueue_dma source(%arg6 : memref<32x1024xf32, #tpu.memory_space<vmem>>) target(%dma_start3A_459 : memref<32x1024xf32, #tpu.memory_space<hbm>>) target_semaphore(%arg12 : memref<!tpu.dma_semaphore, #tpu.memory_space<semaphore_mem>>)
    %dma_start3A_460 = arith.constant 1 : i32
    %dma_start3A_461 = arith.constant 0 : i32
    %dma_start3A_462 = tpu.memref_slice %arg3[%dma_start3A_460, %add3A_448, %dma_start3A_461] : memref<4x8192x1024xf32, #tpu.memory_space<hbm>> -> memref<1x32x1024xf32, #tpu.memory_space<hbm>>
    %dma_start3A_463 = tpu.memref_squeeze %dma_start3A_462 : memref<1x32x1024xf32, #tpu.memory_space<hbm>> -> memref<32x1024xf32, #tpu.memory_space<hbm>>
    %dma_start3A_464 = arith.constant 0 : i32
    %dma_start3A_465 = tpu.memref_slice %arg3[%dma_start3A_460, %add3A_448, %dma_start3A_464] : memref<4x8192x1024xf32, #tpu.memory_space<hbm>> -> memref<1x32x1024xf32, #tpu.memory_space<hbm>>
    %dma_start3A_466 = tpu.memref_squeeze %dma_start3A_465 : memref<1x32x1024xf32, #tpu.memory_space<hbm>> -> memref<32x1024xf32, #tpu.memory_space<hbm>>
    tpu.enqueue_dma source(%arg6 : memref<32x1024xf32, #tpu.memory_space<vmem>>) target(%dma_start3A_466 : memref<32x1024xf32, #tpu.memory_space<hbm>>) target_semaphore(%arg12 : memref<!tpu.dma_semaphore, #tpu.memory_space<semaphore_mem>>)
    %dma_start3A_467 = arith.constant 2 : i32
    %dma_start3A_468 = arith.constant 0 : i32
    %dma_start3A_469 = tpu.memref_slice %arg3[%dma_start3A_467, %add3A_450, %dma_start3A_468] : memref<4x8192x1024xf32, #tpu.memory_space<hbm>> -> memref<1x32x1024xf32, #tpu.memory_space<hbm>>
    %dma_start3A_470 = tpu.memref_squeeze %dma_start3A_469 : memref<1x32x1024xf32, #tpu.memory_space<hbm>> -> memref<32x1024xf32, #tpu.memory_space<hbm>>
    %dma_start3A_471 = arith.constant 0 : i32
    %dma_start3A_472 = tpu.memref_slice %arg3[%dma_start3A_467, %add3A_450, %dma_start3A_471] : memref<4x8192x1024xf32, #tpu.memory_space<hbm>> -> memref<1x32x1024xf32, #tpu.memory_space<hbm>>
    %dma_start3A_473 = tpu.memref_squeeze %dma_start3A_472 : memref<1x32x1024xf32, #tpu.memory_space<hbm>> -> memref<32x1024xf32, #tpu.memory_space<hbm>>
    tpu.enqueue_dma source(%arg6 : memref<32x1024xf32, #tpu.memory_space<vmem>>) target(%dma_start3A_473 : memref<32x1024xf32, #tpu.memory_space<hbm>>) target_semaphore(%arg12 : memref<!tpu.dma_semaphore, #tpu.memory_space<semaphore_mem>>)
    %dma_start3A_474 = arith.constant 3 : i32
    %dma_start3A_475 = arith.constant 0 : i32
    %dma_start3A_476 = tpu.memref_slice %arg3[%dma_start3A_474, %add3A_452, %dma_start3A_475] : memref<4x8192x1024xf32, #tpu.memory_space<hbm>> -> memref<1x32x1024xf32, #tpu.memory_space<hbm>>
    %dma_start3A_477 = tpu.memref_squeeze %dma_start3A_476 : memref<1x32x1024xf32, #tpu.memory_space<hbm>> -> memref<32x1024xf32, #tpu.memory_space<hbm>>
    %dma_start3A_478 = arith.constant 0 : i32
    %dma_start3A_479 = tpu.memref_slice %arg3[%dma_start3A_474, %add3A_452, %dma_start3A_478] : memref<4x8192x1024xf32, #tpu.memory_space<hbm>> -> memref<1x32x1024xf32, #tpu.memory_space<hbm>>
    %dma_start3A_480 = tpu.memref_squeeze %dma_start3A_479 : memref<1x32x1024xf32, #tpu.memory_space<hbm>> -> memref<32x1024xf32, #tpu.memory_space<hbm>>
    tpu.enqueue_dma source(%arg6 : memref<32x1024xf32, #tpu.memory_space<vmem>>) target(%dma_start3A_480 : memref<32x1024xf32, #tpu.memory_space<hbm>>) target_semaphore(%arg12 : memref<!tpu.dma_semaphore, #tpu.memory_space<semaphore_mem>>)
    %add3A_481 = arith.constant 192 : i32
    %add3A_482 = arith.addi %mul3A_2, %add3A_481 : i32
    %dma_wait3A_483 = arith.constant 0 : i32
    %dma_wait3A_484 = tpu.memref_slice %arg2[%add3A_482, %dma_wait3A_483] : memref<8192x1024xf32, #tpu.memory_space<hbm>> -> memref<32x1024xf32, #tpu.memory_space<hbm>>
    %dma_wait3A_485 = arith.constant 0 : i32
    %dma_wait3A_486 = tpu.memref_slice %arg2[%add3A_482, %dma_wait3A_485] : memref<8192x1024xf32, #tpu.memory_space<hbm>> -> memref<32x1024xf32, #tpu.memory_space<hbm>>
    tpu.wait_dma2 semaphore(%arg7 : memref<!tpu.dma_semaphore, #tpu.memory_space<semaphore_mem>>) src(%dma_wait3A_486 : memref<32x1024xf32, #tpu.memory_space<hbm>>) dst(%arg4 : memref<32x1024xf32, #tpu.memory_space<vmem>>)
    %add3A_487 = arith.constant 192 : i32
    %add3A_488 = arith.addi %mul3A_2, %add3A_487 : i32
    %add3A_489 = arith.constant 192 : i32
    %add3A_490 = arith.addi %mul3A_2, %add3A_489 : i32
    %add3A_491 = arith.constant 192 : i32
    %add3A_492 = arith.addi %mul3A_2, %add3A_491 : i32
    %add3A_493 = arith.constant 192 : i32
    %add3A_494 = arith.addi %mul3A_2, %add3A_493 : i32
    %dma_start3A_495 = arith.constant 0 : i32
    %dma_start3A_496 = arith.constant 0 : i32
    %dma_start3A_497 = tpu.memref_slice %arg3[%dma_start3A_495, %add3A_488, %dma_start3A_496] : memref<4x8192x1024xf32, #tpu.memory_space<hbm>> -> memref<1x32x1024xf32, #tpu.memory_space<hbm>>
    %dma_start3A_498 = tpu.memref_squeeze %dma_start3A_497 : memref<1x32x1024xf32, #tpu.memory_space<hbm>> -> memref<32x1024xf32, #tpu.memory_space<hbm>>
    %dma_start3A_499 = arith.constant 0 : i32
    %dma_start3A_500 = tpu.memref_slice %arg3[%dma_start3A_495, %add3A_488, %dma_start3A_499] : memref<4x8192x1024xf32, #tpu.memory_space<hbm>> -> memref<1x32x1024xf32, #tpu.memory_space<hbm>>
    %dma_start3A_501 = tpu.memref_squeeze %dma_start3A_500 : memref<1x32x1024xf32, #tpu.memory_space<hbm>> -> memref<32x1024xf32, #tpu.memory_space<hbm>>
    tpu.enqueue_dma source(%arg4 : memref<32x1024xf32, #tpu.memory_space<vmem>>) target(%dma_start3A_501 : memref<32x1024xf32, #tpu.memory_space<hbm>>) target_semaphore(%arg10 : memref<!tpu.dma_semaphore, #tpu.memory_space<semaphore_mem>>)
    %dma_start3A_502 = arith.constant 1 : i32
    %dma_start3A_503 = arith.constant 0 : i32
    %dma_start3A_504 = tpu.memref_slice %arg3[%dma_start3A_502, %add3A_490, %dma_start3A_503] : memref<4x8192x1024xf32, #tpu.memory_space<hbm>> -> memref<1x32x1024xf32, #tpu.memory_space<hbm>>
    %dma_start3A_505 = tpu.memref_squeeze %dma_start3A_504 : memref<1x32x1024xf32, #tpu.memory_space<hbm>> -> memref<32x1024xf32, #tpu.memory_space<hbm>>
    %dma_start3A_506 = arith.constant 0 : i32
    %dma_start3A_507 = tpu.memref_slice %arg3[%dma_start3A_502, %add3A_490, %dma_start3A_506] : memref<4x8192x1024xf32, #tpu.memory_space<hbm>> -> memref<1x32x1024xf32, #tpu.memory_space<hbm>>
    %dma_start3A_508 = tpu.memref_squeeze %dma_start3A_507 : memref<1x32x1024xf32, #tpu.memory_space<hbm>> -> memref<32x1024xf32, #tpu.memory_space<hbm>>
    tpu.enqueue_dma source(%arg4 : memref<32x1024xf32, #tpu.memory_space<vmem>>) target(%dma_start3A_508 : memref<32x1024xf32, #tpu.memory_space<hbm>>) target_semaphore(%arg10 : memref<!tpu.dma_semaphore, #tpu.memory_space<semaphore_mem>>)
    %dma_start3A_509 = arith.constant 2 : i32
    %dma_start3A_510 = arith.constant 0 : i32
    %dma_start3A_511 = tpu.memref_slice %arg3[%dma_start3A_509, %add3A_492, %dma_start3A_510] : memref<4x8192x1024xf32, #tpu.memory_space<hbm>> -> memref<1x32x1024xf32, #tpu.memory_space<hbm>>
    %dma_start3A_512 = tpu.memref_squeeze %dma_start3A_511 : memref<1x32x1024xf32, #tpu.memory_space<hbm>> -> memref<32x1024xf32, #tpu.memory_space<hbm>>
    %dma_start3A_513 = arith.constant 0 : i32
    %dma_start3A_514 = tpu.memref_slice %arg3[%dma_start3A_509, %add3A_492, %dma_start3A_513] : memref<4x8192x1024xf32, #tpu.memory_space<hbm>> -> memref<1x32x1024xf32, #tpu.memory_space<hbm>>
    %dma_start3A_515 = tpu.memref_squeeze %dma_start3A_514 : memref<1x32x1024xf32, #tpu.memory_space<hbm>> -> memref<32x1024xf32, #tpu.memory_space<hbm>>
    tpu.enqueue_dma source(%arg4 : memref<32x1024xf32, #tpu.memory_space<vmem>>) target(%dma_start3A_515 : memref<32x1024xf32, #tpu.memory_space<hbm>>) target_semaphore(%arg10 : memref<!tpu.dma_semaphore, #tpu.memory_space<semaphore_mem>>)
    %dma_start3A_516 = arith.constant 3 : i32
    %dma_start3A_517 = arith.constant 0 : i32
    %dma_start3A_518 = tpu.memref_slice %arg3[%dma_start3A_516, %add3A_494, %dma_start3A_517] : memref<4x8192x1024xf32, #tpu.memory_space<hbm>> -> memref<1x32x1024xf32, #tpu.memory_space<hbm>>
    %dma_start3A_519 = tpu.memref_squeeze %dma_start3A_518 : memref<1x32x1024xf32, #tpu.memory_space<hbm>> -> memref<32x1024xf32, #tpu.memory_space<hbm>>
    %dma_start3A_520 = arith.constant 0 : i32
    %dma_start3A_521 = tpu.memref_slice %arg3[%dma_start3A_516, %add3A_494, %dma_start3A_520] : memref<4x8192x1024xf32, #tpu.memory_space<hbm>> -> memref<1x32x1024xf32, #tpu.memory_space<hbm>>
    %dma_start3A_522 = tpu.memref_squeeze %dma_start3A_521 : memref<1x32x1024xf32, #tpu.memory_space<hbm>> -> memref<32x1024xf32, #tpu.memory_space<hbm>>
    tpu.enqueue_dma source(%arg4 : memref<32x1024xf32, #tpu.memory_space<vmem>>) target(%dma_start3A_522 : memref<32x1024xf32, #tpu.memory_space<hbm>>) target_semaphore(%arg10 : memref<!tpu.dma_semaphore, #tpu.memory_space<semaphore_mem>>)
    %add3A_523 = arith.constant 224 : i32
    %add3A_524 = arith.addi %mul3A_2, %add3A_523 : i32
    %dma_wait3A_525 = arith.constant 0 : i32
    %dma_wait3A_526 = tpu.memref_slice %arg2[%add3A_524, %dma_wait3A_525] : memref<8192x1024xf32, #tpu.memory_space<hbm>> -> memref<32x1024xf32, #tpu.memory_space<hbm>>
    %dma_wait3A_527 = arith.constant 0 : i32
    %dma_wait3A_528 = tpu.memref_slice %arg2[%add3A_524, %dma_wait3A_527] : memref<8192x1024xf32, #tpu.memory_space<hbm>> -> memref<32x1024xf32, #tpu.memory_space<hbm>>
    tpu.wait_dma2 semaphore(%arg8 : memref<!tpu.dma_semaphore, #tpu.memory_space<semaphore_mem>>) src(%dma_wait3A_528 : memref<32x1024xf32, #tpu.memory_space<hbm>>) dst(%arg5 : memref<32x1024xf32, #tpu.memory_space<vmem>>)
    %add3A_529 = arith.constant 224 : i32
    %add3A_530 = arith.addi %mul3A_2, %add3A_529 : i32
    %add3A_531 = arith.constant 224 : i32
    %add3A_532 = arith.addi %mul3A_2, %add3A_531 : i32
    %add3A_533 = arith.constant 224 : i32
    %add3A_534 = arith.addi %mul3A_2, %add3A_533 : i32
    %add3A_535 = arith.constant 224 : i32
    %add3A_536 = arith.addi %mul3A_2, %add3A_535 : i32
    %dma_start3A_537 = arith.constant 0 : i32
    %dma_start3A_538 = arith.constant 0 : i32
    %dma_start3A_539 = tpu.memref_slice %arg3[%dma_start3A_537, %add3A_530, %dma_start3A_538] : memref<4x8192x1024xf32, #tpu.memory_space<hbm>> -> memref<1x32x1024xf32, #tpu.memory_space<hbm>>
    %dma_start3A_540 = tpu.memref_squeeze %dma_start3A_539 : memref<1x32x1024xf32, #tpu.memory_space<hbm>> -> memref<32x1024xf32, #tpu.memory_space<hbm>>
    %dma_start3A_541 = arith.constant 0 : i32
    %dma_start3A_542 = tpu.memref_slice %arg3[%dma_start3A_537, %add3A_530, %dma_start3A_541] : memref<4x8192x1024xf32, #tpu.memory_space<hbm>> -> memref<1x32x1024xf32, #tpu.memory_space<hbm>>
    %dma_start3A_543 = tpu.memref_squeeze %dma_start3A_542 : memref<1x32x1024xf32, #tpu.memory_space<hbm>> -> memref<32x1024xf32, #tpu.memory_space<hbm>>
    tpu.enqueue_dma source(%arg5 : memref<32x1024xf32, #tpu.memory_space<vmem>>) target(%dma_start3A_543 : memref<32x1024xf32, #tpu.memory_space<hbm>>) target_semaphore(%arg11 : memref<!tpu.dma_semaphore, #tpu.memory_space<semaphore_mem>>)
    %dma_start3A_544 = arith.constant 1 : i32
    %dma_start3A_545 = arith.constant 0 : i32
    %dma_start3A_546 = tpu.memref_slice %arg3[%dma_start3A_544, %add3A_532, %dma_start3A_545] : memref<4x8192x1024xf32, #tpu.memory_space<hbm>> -> memref<1x32x1024xf32, #tpu.memory_space<hbm>>
    %dma_start3A_547 = tpu.memref_squeeze %dma_start3A_546 : memref<1x32x1024xf32, #tpu.memory_space<hbm>> -> memref<32x1024xf32, #tpu.memory_space<hbm>>
    %dma_start3A_548 = arith.constant 0 : i32
    %dma_start3A_549 = tpu.memref_slice %arg3[%dma_start3A_544, %add3A_532, %dma_start3A_548] : memref<4x8192x1024xf32, #tpu.memory_space<hbm>> -> memref<1x32x1024xf32, #tpu.memory_space<hbm>>
    %dma_start3A_550 = tpu.memref_squeeze %dma_start3A_549 : memref<1x32x1024xf32, #tpu.memory_space<hbm>> -> memref<32x1024xf32, #tpu.memory_space<hbm>>
    tpu.enqueue_dma source(%arg5 : memref<32x1024xf32, #tpu.memory_space<vmem>>) target(%dma_start3A_550 : memref<32x1024xf32, #tpu.memory_space<hbm>>) target_semaphore(%arg11 : memref<!tpu.dma_semaphore, #tpu.memory_space<semaphore_mem>>)
    %dma_start3A_551 = arith.constant 2 : i32
    %dma_start3A_552 = arith.constant 0 : i32
    %dma_start3A_553 = tpu.memref_slice %arg3[%dma_start3A_551, %add3A_534, %dma_start3A_552] : memref<4x8192x1024xf32, #tpu.memory_space<hbm>> -> memref<1x32x1024xf32, #tpu.memory_space<hbm>>
    %dma_start3A_554 = tpu.memref_squeeze %dma_start3A_553 : memref<1x32x1024xf32, #tpu.memory_space<hbm>> -> memref<32x1024xf32, #tpu.memory_space<hbm>>
    %dma_start3A_555 = arith.constant 0 : i32
    %dma_start3A_556 = tpu.memref_slice %arg3[%dma_start3A_551, %add3A_534, %dma_start3A_555] : memref<4x8192x1024xf32, #tpu.memory_space<hbm>> -> memref<1x32x1024xf32, #tpu.memory_space<hbm>>
    %dma_start3A_557 = tpu.memref_squeeze %dma_start3A_556 : memref<1x32x1024xf32, #tpu.memory_space<hbm>> -> memref<32x1024xf32, #tpu.memory_space<hbm>>
    tpu.enqueue_dma source(%arg5 : memref<32x1024xf32, #tpu.memory_space<vmem>>) target(%dma_start3A_557 : memref<32x1024xf32, #tpu.memory_space<hbm>>) target_semaphore(%arg11 : memref<!tpu.dma_semaphore, #tpu.memory_space<semaphore_mem>>)
    %dma_start3A_558 = arith.constant 3 : i32
    %dma_start3A_559 = arith.constant 0 : i32
    %dma_start3A_560 = tpu.memref_slice %arg3[%dma_start3A_558, %add3A_536, %dma_start3A_559] : memref<4x8192x1024xf32, #tpu.memory_space<hbm>> -> memref<1x32x1024xf32, #tpu.memory_space<hbm>>
    %dma_start3A_561 = tpu.memref_squeeze %dma_start3A_560 : memref<1x32x1024xf32, #tpu.memory_space<hbm>> -> memref<32x1024xf32, #tpu.memory_space<hbm>>
    %dma_start3A_562 = arith.constant 0 : i32
    %dma_start3A_563 = tpu.memref_slice %arg3[%dma_start3A_558, %add3A_536, %dma_start3A_562] : memref<4x8192x1024xf32, #tpu.memory_space<hbm>> -> memref<1x32x1024xf32, #tpu.memory_space<hbm>>
    %dma_start3A_564 = tpu.memref_squeeze %dma_start3A_563 : memref<1x32x1024xf32, #tpu.memory_space<hbm>> -> memref<32x1024xf32, #tpu.memory_space<hbm>>
    tpu.enqueue_dma source(%arg5 : memref<32x1024xf32, #tpu.memory_space<vmem>>) target(%dma_start3A_564 : memref<32x1024xf32, #tpu.memory_space<hbm>>) target_semaphore(%arg11 : memref<!tpu.dma_semaphore, #tpu.memory_space<semaphore_mem>>)
    %add3A_565 = arith.constant 160 : i32
    %add3A_566 = arith.addi %mul3A_2, %add3A_565 : i32
    %add3A_567 = arith.constant 160 : i32
    %add3A_568 = arith.addi %mul3A_2, %add3A_567 : i32
    %add3A_569 = arith.constant 160 : i32
    %add3A_570 = arith.addi %mul3A_2, %add3A_569 : i32
    %add3A_571 = arith.constant 160 : i32
    %add3A_572 = arith.addi %mul3A_2, %add3A_571 : i32
    %dma_wait3A_573 = arith.constant 0 : i32
    %dma_wait3A_574 = arith.constant 0 : i32
    %dma_wait3A_575 = tpu.memref_slice %arg3[%dma_wait3A_573, %add3A_566, %dma_wait3A_574] : memref<4x8192x1024xf32, #tpu.memory_space<hbm>> -> memref<1x32x1024xf32, #tpu.memory_space<hbm>>
    %dma_wait3A_576 = tpu.memref_squeeze %dma_wait3A_575 : memref<1x32x1024xf32, #tpu.memory_space<hbm>> -> memref<32x1024xf32, #tpu.memory_space<hbm>>
    %dma_wait3A_577 = arith.constant 0 : i32
    %dma_wait3A_578 = tpu.memref_slice %arg3[%dma_wait3A_573, %add3A_566, %dma_wait3A_577] : memref<4x8192x1024xf32, #tpu.memory_space<hbm>> -> memref<1x32x1024xf32, #tpu.memory_space<hbm>>
    %dma_wait3A_579 = tpu.memref_squeeze %dma_wait3A_578 : memref<1x32x1024xf32, #tpu.memory_space<hbm>> -> memref<32x1024xf32, #tpu.memory_space<hbm>>
    tpu.wait_dma2 semaphore(%arg12 : memref<!tpu.dma_semaphore, #tpu.memory_space<semaphore_mem>>) src(%arg6 : memref<32x1024xf32, #tpu.memory_space<vmem>>) dst(%dma_wait3A_579 : memref<32x1024xf32, #tpu.memory_space<hbm>>)
    %dma_wait3A_580 = arith.constant 1 : i32
    %dma_wait3A_581 = arith.constant 0 : i32
    %dma_wait3A_582 = tpu.memref_slice %arg3[%dma_wait3A_580, %add3A_568, %dma_wait3A_581] : memref<4x8192x1024xf32, #tpu.memory_space<hbm>> -> memref<1x32x1024xf32, #tpu.memory_space<hbm>>
    %dma_wait3A_583 = tpu.memref_squeeze %dma_wait3A_582 : memref<1x32x1024xf32, #tpu.memory_space<hbm>> -> memref<32x1024xf32, #tpu.memory_space<hbm>>
    %dma_wait3A_584 = arith.constant 0 : i32
    %dma_wait3A_585 = tpu.memref_slice %arg3[%dma_wait3A_580, %add3A_568, %dma_wait3A_584] : memref<4x8192x1024xf32, #tpu.memory_space<hbm>> -> memref<1x32x1024xf32, #tpu.memory_space<hbm>>
    %dma_wait3A_586 = tpu.memref_squeeze %dma_wait3A_585 : memref<1x32x1024xf32, #tpu.memory_space<hbm>> -> memref<32x1024xf32, #tpu.memory_space<hbm>>
    tpu.wait_dma2 semaphore(%arg12 : memref<!tpu.dma_semaphore, #tpu.memory_space<semaphore_mem>>) src(%arg6 : memref<32x1024xf32, #tpu.memory_space<vmem>>) dst(%dma_wait3A_586 : memref<32x1024xf32, #tpu.memory_space<hbm>>)
    %dma_wait3A_587 = arith.constant 2 : i32
    %dma_wait3A_588 = arith.constant 0 : i32
    %dma_wait3A_589 = tpu.memref_slice %arg3[%dma_wait3A_587, %add3A_570, %dma_wait3A_588] : memref<4x8192x1024xf32, #tpu.memory_space<hbm>> -> memref<1x32x1024xf32, #tpu.memory_space<hbm>>
    %dma_wait3A_590 = tpu.memref_squeeze %dma_wait3A_589 : memref<1x32x1024xf32, #tpu.memory_space<hbm>> -> memref<32x1024xf32, #tpu.memory_space<hbm>>
    %dma_wait3A_591 = arith.constant 0 : i32
    %dma_wait3A_592 = tpu.memref_slice %arg3[%dma_wait3A_587, %add3A_570, %dma_wait3A_591] : memref<4x8192x1024xf32, #tpu.memory_space<hbm>> -> memref<1x32x1024xf32, #tpu.memory_space<hbm>>
    %dma_wait3A_593 = tpu.memref_squeeze %dma_wait3A_592 : memref<1x32x1024xf32, #tpu.memory_space<hbm>> -> memref<32x1024xf32, #tpu.memory_space<hbm>>
    tpu.wait_dma2 semaphore(%arg12 : memref<!tpu.dma_semaphore, #tpu.memory_space<semaphore_mem>>) src(%arg6 : memref<32x1024xf32, #tpu.memory_space<vmem>>) dst(%dma_wait3A_593 : memref<32x1024xf32, #tpu.memory_space<hbm>>)
    %dma_wait3A_594 = arith.constant 3 : i32
    %dma_wait3A_595 = arith.constant 0 : i32
    %dma_wait3A_596 = tpu.memref_slice %arg3[%dma_wait3A_594, %add3A_572, %dma_wait3A_595] : memref<4x8192x1024xf32, #tpu.memory_space<hbm>> -> memref<1x32x1024xf32, #tpu.memory_space<hbm>>
    %dma_wait3A_597 = tpu.memref_squeeze %dma_wait3A_596 : memref<1x32x1024xf32, #tpu.memory_space<hbm>> -> memref<32x1024xf32, #tpu.memory_space<hbm>>
    %dma_wait3A_598 = arith.constant 0 : i32
    %dma_wait3A_599 = tpu.memref_slice %arg3[%dma_wait3A_594, %add3A_572, %dma_wait3A_598] : memref<4x8192x1024xf32, #tpu.memory_space<hbm>> -> memref<1x32x1024xf32, #tpu.memory_space<hbm>>
    %dma_wait3A_600 = tpu.memref_squeeze %dma_wait3A_599 : memref<1x32x1024xf32, #tpu.memory_space<hbm>> -> memref<32x1024xf32, #tpu.memory_space<hbm>>
    tpu.wait_dma2 semaphore(%arg12 : memref<!tpu.dma_semaphore, #tpu.memory_space<semaphore_mem>>) src(%arg6 : memref<32x1024xf32, #tpu.memory_space<vmem>>) dst(%dma_wait3A_600 : memref<32x1024xf32, #tpu.memory_space<hbm>>)
    %add3A_601 = arith.constant 192 : i32
    %add3A_602 = arith.addi %mul3A_2, %add3A_601 : i32
    %add3A_603 = arith.constant 192 : i32
    %add3A_604 = arith.addi %mul3A_2, %add3A_603 : i32
    %add3A_605 = arith.constant 192 : i32
    %add3A_606 = arith.addi %mul3A_2, %add3A_605 : i32
    %add3A_607 = arith.constant 192 : i32
    %add3A_608 = arith.addi %mul3A_2, %add3A_607 : i32
    %dma_wait3A_609 = arith.constant 0 : i32
    %dma_wait3A_610 = arith.constant 0 : i32
    %dma_wait3A_611 = tpu.memref_slice %arg3[%dma_wait3A_609, %add3A_602, %dma_wait3A_610] : memref<4x8192x1024xf32, #tpu.memory_space<hbm>> -> memref<1x32x1024xf32, #tpu.memory_space<hbm>>
    %dma_wait3A_612 = tpu.memref_squeeze %dma_wait3A_611 : memref<1x32x1024xf32, #tpu.memory_space<hbm>> -> memref<32x1024xf32, #tpu.memory_space<hbm>>
    %dma_wait3A_613 = arith.constant 0 : i32
    %dma_wait3A_614 = tpu.memref_slice %arg3[%dma_wait3A_609, %add3A_602, %dma_wait3A_613] : memref<4x8192x1024xf32, #tpu.memory_space<hbm>> -> memref<1x32x1024xf32, #tpu.memory_space<hbm>>
    %dma_wait3A_615 = tpu.memref_squeeze %dma_wait3A_614 : memref<1x32x1024xf32, #tpu.memory_space<hbm>> -> memref<32x1024xf32, #tpu.memory_space<hbm>>
    tpu.wait_dma2 semaphore(%arg10 : memref<!tpu.dma_semaphore, #tpu.memory_space<semaphore_mem>>) src(%arg4 : memref<32x1024xf32, #tpu.memory_space<vmem>>) dst(%dma_wait3A_615 : memref<32x1024xf32, #tpu.memory_space<hbm>>)
    %dma_wait3A_616 = arith.constant 1 : i32
    %dma_wait3A_617 = arith.constant 0 : i32
    %dma_wait3A_618 = tpu.memref_slice %arg3[%dma_wait3A_616, %add3A_604, %dma_wait3A_617] : memref<4x8192x1024xf32, #tpu.memory_space<hbm>> -> memref<1x32x1024xf32, #tpu.memory_space<hbm>>
    %dma_wait3A_619 = tpu.memref_squeeze %dma_wait3A_618 : memref<1x32x1024xf32, #tpu.memory_space<hbm>> -> memref<32x1024xf32, #tpu.memory_space<hbm>>
    %dma_wait3A_620 = arith.constant 0 : i32
    %dma_wait3A_621 = tpu.memref_slice %arg3[%dma_wait3A_616, %add3A_604, %dma_wait3A_620] : memref<4x8192x1024xf32, #tpu.memory_space<hbm>> -> memref<1x32x1024xf32, #tpu.memory_space<hbm>>
    %dma_wait3A_622 = tpu.memref_squeeze %dma_wait3A_621 : memref<1x32x1024xf32, #tpu.memory_space<hbm>> -> memref<32x1024xf32, #tpu.memory_space<hbm>>
    tpu.wait_dma2 semaphore(%arg10 : memref<!tpu.dma_semaphore, #tpu.memory_space<semaphore_mem>>) src(%arg4 : memref<32x1024xf32, #tpu.memory_space<vmem>>) dst(%dma_wait3A_622 : memref<32x1024xf32, #tpu.memory_space<hbm>>)
    %dma_wait3A_623 = arith.constant 2 : i32
    %dma_wait3A_624 = arith.constant 0 : i32
    %dma_wait3A_625 = tpu.memref_slice %arg3[%dma_wait3A_623, %add3A_606, %dma_wait3A_624] : memref<4x8192x1024xf32, #tpu.memory_space<hbm>> -> memref<1x32x1024xf32, #tpu.memory_space<hbm>>
    %dma_wait3A_626 = tpu.memref_squeeze %dma_wait3A_625 : memref<1x32x1024xf32, #tpu.memory_space<hbm>> -> memref<32x1024xf32, #tpu.memory_space<hbm>>
    %dma_wait3A_627 = arith.constant 0 : i32
    %dma_wait3A_628 = tpu.memref_slice %arg3[%dma_wait3A_623, %add3A_606, %dma_wait3A_627] : memref<4x8192x1024xf32, #tpu.memory_space<hbm>> -> memref<1x32x1024xf32, #tpu.memory_space<hbm>>
    %dma_wait3A_629 = tpu.memref_squeeze %dma_wait3A_628 : memref<1x32x1024xf32, #tpu.memory_space<hbm>> -> memref<32x1024xf32, #tpu.memory_space<hbm>>
    tpu.wait_dma2 semaphore(%arg10 : memref<!tpu.dma_semaphore, #tpu.memory_space<semaphore_mem>>) src(%arg4 : memref<32x1024xf32, #tpu.memory_space<vmem>>) dst(%dma_wait3A_629 : memref<32x1024xf32, #tpu.memory_space<hbm>>)
    %dma_wait3A_630 = arith.constant 3 : i32
    %dma_wait3A_631 = arith.constant 0 : i32
    %dma_wait3A_632 = tpu.memref_slice %arg3[%dma_wait3A_630, %add3A_608, %dma_wait3A_631] : memref<4x8192x1024xf32, #tpu.memory_space<hbm>> -> memref<1x32x1024xf32, #tpu.memory_space<hbm>>
    %dma_wait3A_633 = tpu.memref_squeeze %dma_wait3A_632 : memref<1x32x1024xf32, #tpu.memory_space<hbm>> -> memref<32x1024xf32, #tpu.memory_space<hbm>>
    %dma_wait3A_634 = arith.constant 0 : i32
    %dma_wait3A_635 = tpu.memref_slice %arg3[%dma_wait3A_630, %add3A_608, %dma_wait3A_634] : memref<4x8192x1024xf32, #tpu.memory_space<hbm>> -> memref<1x32x1024xf32, #tpu.memory_space<hbm>>
    %dma_wait3A_636 = tpu.memref_squeeze %dma_wait3A_635 : memref<1x32x1024xf32, #tpu.memory_space<hbm>> -> memref<32x1024xf32, #tpu.memory_space<hbm>>
    tpu.wait_dma2 semaphore(%arg10 : memref<!tpu.dma_semaphore, #tpu.memory_space<semaphore_mem>>) src(%arg4 : memref<32x1024xf32, #tpu.memory_space<vmem>>) dst(%dma_wait3A_636 : memref<32x1024xf32, #tpu.memory_space<hbm>>)
    %add3A_637 = arith.constant 224 : i32
    %add3A_638 = arith.addi %mul3A_2, %add3A_637 : i32
    %add3A_639 = arith.constant 224 : i32
    %add3A_640 = arith.addi %mul3A_2, %add3A_639 : i32
    %add3A_641 = arith.constant 224 : i32
    %add3A_642 = arith.addi %mul3A_2, %add3A_641 : i32
    %add3A_643 = arith.constant 224 : i32
    %add3A_644 = arith.addi %mul3A_2, %add3A_643 : i32
    %dma_wait3A_645 = arith.constant 0 : i32
    %dma_wait3A_646 = arith.constant 0 : i32
    %dma_wait3A_647 = tpu.memref_slice %arg3[%dma_wait3A_645, %add3A_638, %dma_wait3A_646] : memref<4x8192x1024xf32, #tpu.memory_space<hbm>> -> memref<1x32x1024xf32, #tpu.memory_space<hbm>>
    %dma_wait3A_648 = tpu.memref_squeeze %dma_wait3A_647 : memref<1x32x1024xf32, #tpu.memory_space<hbm>> -> memref<32x1024xf32, #tpu.memory_space<hbm>>
    %dma_wait3A_649 = arith.constant 0 : i32
    %dma_wait3A_650 = tpu.memref_slice %arg3[%dma_wait3A_645, %add3A_638, %dma_wait3A_649] : memref<4x8192x1024xf32, #tpu.memory_space<hbm>> -> memref<1x32x1024xf32, #tpu.memory_space<hbm>>
    %dma_wait3A_651 = tpu.memref_squeeze %dma_wait3A_650 : memref<1x32x1024xf32, #tpu.memory_space<hbm>> -> memref<32x1024xf32, #tpu.memory_space<hbm>>
    tpu.wait_dma2 semaphore(%arg11 : memref<!tpu.dma_semaphore, #tpu.memory_space<semaphore_mem>>) src(%arg5 : memref<32x1024xf32, #tpu.memory_space<vmem>>) dst(%dma_wait3A_651 : memref<32x1024xf32, #tpu.memory_space<hbm>>)
    %dma_wait3A_652 = arith.constant 1 : i32
    %dma_wait3A_653 = arith.constant 0 : i32
    %dma_wait3A_654 = tpu.memref_slice %arg3[%dma_wait3A_652, %add3A_640, %dma_wait3A_653] : memref<4x8192x1024xf32, #tpu.memory_space<hbm>> -> memref<1x32x1024xf32, #tpu.memory_space<hbm>>
    %dma_wait3A_655 = tpu.memref_squeeze %dma_wait3A_654 : memref<1x32x1024xf32, #tpu.memory_space<hbm>> -> memref<32x1024xf32, #tpu.memory_space<hbm>>
    %dma_wait3A_656 = arith.constant 0 : i32
    %dma_wait3A_657 = tpu.memref_slice %arg3[%dma_wait3A_652, %add3A_640, %dma_wait3A_656] : memref<4x8192x1024xf32, #tpu.memory_space<hbm>> -> memref<1x32x1024xf32, #tpu.memory_space<hbm>>
    %dma_wait3A_658 = tpu.memref_squeeze %dma_wait3A_657 : memref<1x32x1024xf32, #tpu.memory_space<hbm>> -> memref<32x1024xf32, #tpu.memory_space<hbm>>
    tpu.wait_dma2 semaphore(%arg11 : memref<!tpu.dma_semaphore, #tpu.memory_space<semaphore_mem>>) src(%arg5 : memref<32x1024xf32, #tpu.memory_space<vmem>>) dst(%dma_wait3A_658 : memref<32x1024xf32, #tpu.memory_space<hbm>>)
    %dma_wait3A_659 = arith.constant 2 : i32
    %dma_wait3A_660 = arith.constant 0 : i32
    %dma_wait3A_661 = tpu.memref_slice %arg3[%dma_wait3A_659, %add3A_642, %dma_wait3A_660] : memref<4x8192x1024xf32, #tpu.memory_space<hbm>> -> memref<1x32x1024xf32, #tpu.memory_space<hbm>>
    %dma_wait3A_662 = tpu.memref_squeeze %dma_wait3A_661 : memref<1x32x1024xf32, #tpu.memory_space<hbm>> -> memref<32x1024xf32, #tpu.memory_space<hbm>>
    %dma_wait3A_663 = arith.constant 0 : i32
    %dma_wait3A_664 = tpu.memref_slice %arg3[%dma_wait3A_659, %add3A_642, %dma_wait3A_663] : memref<4x8192x1024xf32, #tpu.memory_space<hbm>> -> memref<1x32x1024xf32, #tpu.memory_space<hbm>>
    %dma_wait3A_665 = tpu.memref_squeeze %dma_wait3A_664 : memref<1x32x1024xf32, #tpu.memory_space<hbm>> -> memref<32x1024xf32, #tpu.memory_space<hbm>>
    tpu.wait_dma2 semaphore(%arg11 : memref<!tpu.dma_semaphore, #tpu.memory_space<semaphore_mem>>) src(%arg5 : memref<32x1024xf32, #tpu.memory_space<vmem>>) dst(%dma_wait3A_665 : memref<32x1024xf32, #tpu.memory_space<hbm>>)
    %dma_wait3A_666 = arith.constant 3 : i32
    %dma_wait3A_667 = arith.constant 0 : i32
    %dma_wait3A_668 = tpu.memref_slice %arg3[%dma_wait3A_666, %add3A_644, %dma_wait3A_667] : memref<4x8192x1024xf32, #tpu.memory_space<hbm>> -> memref<1x32x1024xf32, #tpu.memory_space<hbm>>
    %dma_wait3A_669 = tpu.memref_squeeze %dma_wait3A_668 : memref<1x32x1024xf32, #tpu.memory_space<hbm>> -> memref<32x1024xf32, #tpu.memory_space<hbm>>
    %dma_wait3A_670 = arith.constant 0 : i32
    %dma_wait3A_671 = tpu.memref_slice %arg3[%dma_wait3A_666, %add3A_644, %dma_wait3A_670] : memref<4x8192x1024xf32, #tpu.memory_space<hbm>> -> memref<1x32x1024xf32, #tpu.memory_space<hbm>>
    %dma_wait3A_672 = tpu.memref_squeeze %dma_wait3A_671 : memref<1x32x1024xf32, #tpu.memory_space<hbm>> -> memref<32x1024xf32, #tpu.memory_space<hbm>>
    tpu.wait_dma2 semaphore(%arg11 : memref<!tpu.dma_semaphore, #tpu.memory_space<semaphore_mem>>) src(%arg5 : memref<32x1024xf32, #tpu.memory_space<vmem>>) dst(%dma_wait3A_672 : memref<32x1024xf32, #tpu.memory_space<hbm>>)
    return
  }
}

</mosaic_0001>

<sc_bundles>
// kernel: kernel.3.cloned.1.call-start
scs
__scs_entry_jumppad:
0x0: {  	(pc) =	sbr.rel $0x88, $3  }
0x1: {  	(tag) =	ssettag $0x0;
	lr =	simm.s32 $0x1  }
0x2: {  	[smem:$0x3FA0] =	sst lr;
	_ =	strace $0xD0000000  }
0x3: {  	_ = 	snop  }
0x4: {  	_ = 	snop  }
0x5: {  	_ = 	snop  }
0x6: {  	_ = 	snop  }
0x7: {  	_ = 	snop  }
__scs_overlays_trampoline_lowered:
0x8: {  	[smem:$0x3FAF] =	sst s0  }
0x9: {  	[smem:$0x3FB0] =	sst s1  }
0xa: {  	[smem:$0x3FB1] =	sst s2  }
0xb: {  	[smem:$0x3FB2] =	sst s3  }
0xc: {  	[smem:$0x3FB3] =	sst s4  }
0xd: {  	[smem:$0x3FB4] =	sst s5  }
0xe: {  	[smem:$0x3FB5] =	sst s6  }
0xf: {  	[smem:$0x3FB6] =	sst s7  }
0x10: {  	[smem:$0x3FB7] =	sst s8  }
0x11: {  	[smem:$0x3FB8] =	sst s9;
	s0 =	simm.s32 @!p0 $0x0  }
0x12: {  	s1 =	sld [smem:$0x3F9E];
	s0 =	simm.s32 @p0 $0x1  }
0x13: {  	[smem:$0x3FB9] =	sst s0;
	s0 =	simm.s32 @!p1 $0x0  }
0x14: {  	s2 =	sld [smem:$0x3F9D];
	s0 =	simm.s32 @p1 $0x1  }
0x15: {  	[smem:$0x3FBA] =	sst s0;
	s0 =	simm.s32 @!p2 $0x0  }
0x16: {  	s3 =	sld [smem:$0x3FDB];
	s0 =	simm.s32 @p2 $0x1  }
0x17: {  	s4 =	simm.s32 $0x1BF5;
	[smem:$0x3FBC] =	sst s0  }
0x18: {  	s0 =	sld [smem:$0x3F9F];
	_ =	swait.ge [sflag:s4], $0x0  }
0x19: {  	s7 =	sld [smem:$0x3FA0]  }
0x1a: {  	s8 =	sadd.s32 $0xFFFFE003, lr  }
0x1b: {  	s9 =	sadd.s32 $0xFFFFFEF7, lr;
	s5 =	simm.s32 $0xFFFFFFFF;
	p2 =	slt.u32 s8, $0xFFFFF086  }
0x1c: {  	p1 =	slt.u32 s9, $0xF7A;
	s5 =	simm.s32 @!p2 $0x0  }
0x1d: {  	s5 =	simm.s32 @p1 $0x1;
	p0 =	seq.s32 s7, s2  }
0x1e: {  	s7 =	smul.u32 @!p0 $0xF7A, s2;
	p2 =	seq.s32 @!p0 s5, $0x0  }
0x1f: {  	s9 =	smul.u32 $0xF7A, s1;
	s8 =	simm.s32 @!p0 $0x1BF5;
	p2 =	por !p2, p0  }
0x20: {  	[sflag:s8] =	ssyncset.s32 @!p0 $0xFFFFF086;
	s6 =	sadd.s32 @!p0 s3, s7;
	s7 =	simm.s32 @!p0 $0x108  }
0x21: {  	s3 =	sadd.s32 s3, s9;
	s6 =	sadd.s32 @!p0 $0x88, s6;
	s7 =	simm.s32 @p2 $0x1082  }
0x22: {  	[simem:s7], [sflag:s8] =	dma.local @!p0 [hbm:s6], $0xF7A  }
0x23: {  	s9 =	sor.u32 $0xD0000000, s2;
	s6 =	simm.s32 $0x108;
	_ =	swait.ge @!p0 [sflag:s8], $0x0  }
0x24: {  	s3 =	sadd.s32 $0x88, s3;
	s6 =	simm.s32 @!p1 $0x1082;
	[sflag:s4] =	ssyncset.s32 $0xFFFFF086  }
0x25: {  	[simem:s6], [sflag:s4] =	dma.local [hbm:s3], $0xF7A  }
0x26: {  	[smem:$0x3FA0] =	sst s1;
	(tag) =	ssettag s2;
	_ =	strace s9  }
0x27: {  	s1 =	sld [smem:$0x3FB0]  }
0x28: {  	s2 =	sld [smem:$0x3FB1]  }
0x29: {  	s4 =	sld [smem:$0x3FB3]  }
0x2a: {  	p0 =	seq.s32 s5, $0x0;
	s5 =	sld [smem:$0x3FB4]  }
0x2b: {  	s6 =	sld [smem:$0x3FB5]  }
0x2c: {  	s7 =	sld [smem:$0x3FB6]  }
0x2d: {  	s3 =	simm.s32 $0x108;
	s8 =	sld [smem:$0x3FB7]  }
0x2e: {  	s3 =	simm.s32 @!p0 $0x1082;
	s9 =	sld [smem:$0x3FB8]  }
0x2f: {  	lr =	sadd.s32 s0, s3;
	s0 =	sld [smem:$0x3FAF]  }
0x30: {  	s3 =	sld [smem:$0x3FB2]  }
0x31: {  	[smem:$0x3FBB] =	sst s10  }
0x32: {  	s10 =	sld [smem:$0x3FB9];
	_ =	sdelay $0x3  }
0x33: {  	p0 =	seq.s32 s10, $0x1;
	s10 =	sld [smem:$0x3FBB];
	_ =	sdelay $0x3  }
0x34: {  	[smem:$0x3FBB] =	sst s10  }
0x35: {  	s10 =	sld [smem:$0x3FBA];
	_ =	sdelay $0x3  }
0x36: {  	p1 =	seq.s32 s10, $0x1;
	s10 =	sld [smem:$0x3FBB];
	_ =	sdelay $0x3  }
0x37: {  	[smem:$0x3FBB] =	sst s10  }
0x38: {  	s10 =	sld [smem:$0x3FBC]  }
0x39: {  	_ = 	snop;
	(pc) =	sbr.ind lr, $3  }
0x3a: {  	_ = 	snop  }
0x3b: {  	_ = 	snop  }
0x3c: {  	p2 =	seq.s32 s10, $0x1;
	s10 =	sld [smem:$0x3FBB]  }
0x3d: {  	_ =	shalt  }
0x3e: {  	_ =	shalt  }
0x3f: {  	_ =	shalt  }
0x40: {  	_ =	shalt  }
0x41: {  	_ =	shalt  }
0x42: {  	_ =	shalt  }
0x43: {  	_ =	shalt  }
0x44: {  	_ =	shalt  }
0x45: {  	_ =	shalt  }
0x46: {  	_ =	shalt  }
0x47: {  	_ =	shalt  }
0x48: {  	_ =	shalt  }
0x49: {  	_ =	shalt  }
0x4a: {  	_ =	shalt  }
0x4b: {  	_ =	shalt  }
0x4c: {  	_ =	shalt  }
0x4d: {  	_ =	shalt  }
0x4e: {  	_ =	shalt  }
0x4f: {  	_ =	shalt  }
0x50: {  	_ =	shalt  }
0x51: {  	_ =	shalt  }
0x52: {  	_ =	shalt  }
0x53: {  	_ =	shalt  }
0x54: {  	_ =	shalt  }
0x55: {  	_ =	shalt  }
0x56: {  	_ =	shalt  }
0x57: {  	_ =	shalt  }
0x58: {  	_ =	shalt  }
0x59: {  	_ =	shalt  }
0x5a: {  	_ =	shalt  }
0x5b: {  	_ =	shalt  }
0x5c: {  	_ =	shalt  }
0x5d: {  	_ =	shalt  }
0x5e: {  	_ =	shalt  }
0x5f: {  	_ =	shalt  }
0x60: {  	_ =	shalt  }
0x61: {  	_ =	shalt  }
0x62: {  	_ =	shalt  }
0x63: {  	_ =	shalt  }
0x64: {  	_ =	shalt  }
0x65: {  	_ =	shalt  }
0x66: {  	_ =	shalt  }
0x67: {  	_ =	shalt  }
0x68: {  	_ =	shalt  }
0x69: {  	_ =	shalt  }
0x6a: {  	_ =	shalt  }
0x6b: {  	_ =	shalt  }
0x6c: {  	_ =	shalt  }
0x6d: {  	_ =	shalt  }
0x6e: {  	_ =	shalt  }
0x6f: {  	_ =	shalt  }
0x70: {  	_ =	shalt  }
0x71: {  	_ =	shalt  }
0x72: {  	_ =	shalt  }
0x73: {  	_ =	shalt  }
0x74: {  	_ =	shalt  }
0x75: {  	_ =	shalt  }
0x76: {  	_ =	shalt  }
0x77: {  	_ =	shalt  }
0x78: {  	_ =	shalt  }
0x79: {  	_ =	shalt  }
0x7a: {  	_ =	shalt  }
0x7b: {  	_ =	shalt  }
0x7c: {  	_ =	shalt  }
0x7d: {  	_ =	shalt  }
0x7e: {  	_ =	shalt  }
0x7f: {  	_ =	shalt  }
0x80: {  	_ =	shalt  }
0x81: {  	_ =	shalt  }
0x82: {  	_ =	shalt  }
0x83: {  	_ =	shalt  }
0x84: {  	_ =	shalt  }
0x85: {  	_ =	shalt  }
0x86: {  	_ =	shalt  }
0x87: {  	_ =	shalt  }
.Lfunc_end0:
.L_simem_size_0:
called_computation_lowered:
.L_overlay_start_0:
0x88: {  	s2 =	sld [smem:$0x3FD9]  }
0x89: {  	s3 =	sld [smem:$0x3FFE];
	_ =	sdelay $0x1  }
0x8a: {  	s1 =	srdreg.scid  }
0x8b: {  	s0 =	sand.u32 $0x1, s1  }
0x8c: {  	s18 =	sshll.u32 s0, $0xA;
	s2 =	sadd.s32 s3, s2  }
0x8d: {  	s2 =	sadd.s32 s2, s18  }
0x8e: {  	[smem:$0x3FC7] =	sst s2  }
0x8f: {  	_ = 	snop  }
0x90: {  	s2 =	sld [smem:$0x3FC9]  }
0x91: {  	s19 =	sld [smem:$0x3FD0];
	(tm) =	ssettm $0x1  }
0x92: {  	s4 =	sld [smem:$0x3FFB];
	_ =	sdelay $0x3  }
0x93: {  	_ =	strace s4  }
0x94: {  	s4 =	sld [smem:$0x3FFC];
	_ =	sdelay $0x3  }
0x95: {  	_ =	strace s4  }
0x96: {  	s4 =	sld [smem:$0x3FFD];
	_ =	sdelay $0x3  }
0x97: {  	_ =	strace s4  }
0x98: {  	_ =	strace $0x8FFFFFFF  }
0x99: {  	s20 =	sld [smem:$0x3FDB];
	_ =	sdelay $0x1  }
0x9a: {  	s5 =	simm.s32 $_scs_section_size  }
0x9b: {  	s6 =	simm.s32 $_size__tile_overlayer_lowered;
	s7 =	simm.s32 $_tile_overlayer_lowered  }
0x9c: {  	s23 =	simm.s32 $0x1BFF;
	s22 =	sshll.u32 s7, $0x1;
	s4 =	sadd.s32 s5, s20  }
0x9d: {  	s8 =	simm.s32 $0x0;
	s21 =	sshll.u32 s6, $0x1;
	s6 =	sadd.s32 s22, s4  }
0x9e: {  	[timem:s8], [sflag:s23] =	dma.local [hbm:s6], s21  }
0x9f: {  	_ =	swait.ge [sflag:s23], s21  }
0xa0: {  	s5 =	ssub.s32 $0x0, s21;
	[sflag:s23] =	ssyncset.done $0x0  }
0xa1: {  	[sflag:s23] =	ssyncadd.s32 s5;
	_ =	sdelay $0x1  }
0xa2: {  	s24 =	simm.s32 $0x1B8B  }
0xa3: {  	_ =	swait.ge [sflag:s24], $0x1  }
0xa4: {  	[sflag:s24] =	ssyncset.done $0x0  }
0xa5: {  	s25 =	simm.s32 $0x1B8E;
	[sflag:s24] =	ssyncadd.s32 $0xFFFFFFFF  }
0xa6: {  	s26 =	simm.s32 $execute0_lowered;
	[smem:$0x3FD2] =	sst s25  }
0xa7: {  	s5 =	sshll.u32 s26, $0x1;
	_ =	strace $0x80000046;
	[dreg:$0x1] =	wrdreg $0xFFFFFFFF  }
0xa8: {  	s28 =	simm.s32 $_size_execute0_lowered;
	s4 =	sadd.s32 s4, s5;
	[dreg:$0x0] =	wrdreg $0x0  }
0xa9: {  	s5 =	sshll.u32 s28, $0x1;
	[dreg:$0x2] =	wrdreg s4  }
0xaa: {  	[dreg:$0x3] =	wrdreg s5  }
0xab: {  	[dreg:$0x4] =	wrdreg $0xC0  }
0xac: {  	_ =	task [dreg:s8], $0x5FFFF  }
0xad: {  	[dreg:$0x1] =	wrdreg $0xFFFFFFFF  }
0xae: {  	[dreg:$0x0] =	wrdreg $0x60  }
0xaf: {  	[dreg:$0x2] =	wrdreg s2  }
0xb0: {  	[dreg:$0x3] =	wrdreg s19  }
0xb1: {  	[dreg:$0x4] =	wrdreg $0x9  }
0xb2: {  	_ =	task.clear_ibuf [dreg:s8], $0x5FFFF;
	_ =	strace $0x90000046  }
0xb3: {  	s29 =	simm.s32 $0x9;
	_ =	strace $0x80000048  }
0xb4: {  	_ =	swait.ge [sflag:s29], $0x1  }
0xb5: {  	[sflag:s29] =	ssyncadd.s32 $0xFFFFFFFF  }
0xb6: {  	_ =	strace $0x90000048  }
0xb7: {  	_ =	sfence  }
0xb8: {  	s30 =	sld [smem:$0x0];
	_ =	sdelay $0x2  }
0xb9: {  	s31 =	sshll.u32 s1, $0xD;
	s1 =	sshrl.u32 s1, $0x2  }
0xba: {  	s3 =	sand.u32 $0x4000, s31;
	s1 =	sadd.s32 s1, s30  }
0xbb: {  	s0 =	sor.u32 s3, s0;
	s1 =	sshll.u32 s1, $0x11  }
0xbc: {  	s0 =	sor.u32 s1, s0  }
0xbd: {  	s0 =	sadd.s32 $0x8F2B, s0  }
0xbe: {  	[sflag:s0] =	ssyncadd.remote.s32 $0x1  }
0xbf: {  	_ =	sfence.sel $0xFFFF  }
0xc0: {  	[dreg:$0x0] =	wrdreg $0xFFFFFFFF;
	(pc) =	sbr.abs _section_cstart, $3  }
0xc1: {  	[dreg:$0x1] =	wrdreg $0xFFFFFFFF  }
0xc2: {  	_ =	task.clear_ibuf [dreg:s8], $0x2FFFF;
	_ =	strace $0x9FFFFFFF  }
0xc3: {  	(tm) =	ssettm $0x7FFFFFFF  }
tec
execute0_lowered:
.L_overlay_start_1:
0x0: {  	(tag) =	ssettag $0x1  }
0x1: {  	s3 =	rddreg [dreg:$0x0];
	s1 =	srdreg.scid  }
0x2: {  	s0 =	rddreg [dreg:$0x1];
	s4 =	stileid.u32;
	s1 =	sand.u32 $0x1, s1  }
0x3: {  	s2 =	simm.s32 $0x0;
	s4 =	sshll.u32 s4, $0x10;
	s5 =	sshll.u32 s1, $0xF  }
0x4: {  	[smem:$0x7FF] =	sst s2;
	s4 =	sor.u32 s5, s4  }
0x5: {  	_ =	strace $0x80000047;
	s5 =	sadd.s32 s3, s4;
	s6 =	sor.u32 $0x1000, s4  }
0x6: {  	s7 =	sor.u32 $0x2000, s4;
	[dreg:$0x3] =	wrdreg s5;
	s18 =	sadd.s32 s3, s6  }
0x7: {  	s31 =	sadd.s32 s0, s4;
	s19 =	sadd.s32 s3, s7;
	[dreg:$0x4] =	wrdreg s18  }
0x8: {  	s20 =	sadd.s32 $0x100000, s31;
	[dreg:$0x5] =	wrdreg s19  }
0x9: {  	s21 =	sadd.s32 $0x200000, s31;
	[dreg:$0x6] =	wrdreg s20  }
0xa: {  	s8 =	sor.u32 $0x3000, s4;
	s22 =	sadd.s32 $0x300000, s31;
	[dreg:$0x7] =	wrdreg s21  }
0xb: {  	s23 =	sadd.s32 s3, s8;
	[dreg:$0x8] =	wrdreg s22  }
0xc: {  	s24 =	sadd.s32 s0, s6;
	[dreg:$0x9] =	wrdreg s23  }
0xd: {  	s25 =	sadd.s32 $0x101000, s31;
	[dreg:$0xa] =	wrdreg s24  }
0xe: {  	p0 =	por $0x0, $0x0;
	s26 =	sadd.s32 $0x201000, s31;
	[dreg:$0xb] =	wrdreg s25  }
0xf: {  	s9 =	sor.u32 $0x4000, s4;
	s6 =	sadd.s32 $0x301000, s31;
	[dreg:$0xc] =	wrdreg s26  }
0x10: {  	s29 =	simm.s32 $0x3;
	s10 =	sadd.s32 s3, s9;
	[dreg:$0xd] =	wrdreg s6  }
0x11: {  	s1 =	ssub.s32 $0x2, s1;
	s11 =	sadd.s32 s0, s7;
	[dreg:$0xe] =	wrdreg s10  }
0x12: {  	s15 =	sor.u32 $0x5000, s4;
	s12 =	sadd.s32 $0x102000, s31;
	[dreg:$0xf] =	wrdreg s11  }
0x13: {  	s13 =	sadd.s32 $0x202000, s31;
	s14 =	sadd.s32 $0x302000, s31;
	[dreg:$0x10] =	wrdreg s12  }
0x14: {  	s16 =	sadd.s32 s3, s15;
	s17 =	sadd.s32 s0, s8;
	[dreg:$0x11] =	wrdreg s13  }
0x15: {  	s30 =	sadd.s32 $0x303000, s31;
	s15 =	sadd.s32 s0, s15;
	[dreg:$0x12] =	wrdreg s14  }
0x16: {  	s7 =	sadd.s32 $0x207000, s31;
	s8 =	sadd.s32 $0x307000, s31;
	[dreg:$0x13] =	wrdreg s16  }
0x17: {  	[dreg:$0x14] =	wrdreg s17;
	s18 =	sadd.s32 $0x103000, s31;
	s19 =	sshrl.u32 s1, $0x1  }
0x18: {  	s20 =	sadd.s32 $0x203000, s31;
	s21 =	sor.u32 $0x6000, s4;
	s23 =	sadd.s32 s0, s9  }
0x19: {  	s24 =	sadd.s32 $0x104000, s31;
	s25 =	sadd.s32 $0x204000, s31;
	s4 =	sor.u32 $0x7000, s4  }
0x1a: {  	s26 =	sadd.s32 $0x304000, s31;
	s16 =	sadd.s32 $0x105000, s31;
	s17 =	sadd.s32 $0x205000, s31  }
0x1b: {  	s12 =	sadd.s32 $0x106000, s31;
	s13 =	sadd.s32 $0x206000, s31;
	s1 =	ssub.s32 s1, s19  }
0x1c: {  	s14 =	sadd.s32 $0x306000, s31;
	s6 =	sadd.s32 $0x107000, s31;
	s22 =	smax.u32 s1, $0x1  }
0x1d: {  	s10 =	simm.s32 $0x8000;
	[dreg:$0x15] =	wrdreg s18;
	p1 =	sne.s32 s22, $0x1  }
.Ltmp0:
0x1e: {  	s9 =	simm.s32 $0x6;
	[dreg:$0x16] =	wrdreg s20;
	(pc) =	sbr.rel @!p1 .LBB2_5-.Ltmp0, $4  }
0x1f: {  	s28 =	sadd.s32 s3, s21;
	s19 =	sadd.s32 s3, s4;
	s18 =	sadd.s32 $0x305000, s31  }
0x20: {  	s11 =	sadd.s32 s0, s21;
	s5 =	sadd.s32 s0, s4;
	s21 =	simm.s32 $0x10000  }
0x21: {  	s4 =	simm.s32 $0x4;
	s20 =	simm.s32 $0x2;
	s3 =	simm.s32 $0x5  }
0x22: {  	s1 =	rddreg [dreg:$0x3];
	s0 =	sadd.s32 $0xFFFFFFFF, s22;
	s22 =	simm.s32 $0x1  }
0x23: {  	[dreg:$0x18] =	wrdreg s0  }
0x24: {  	[tilespmem:s2], [sflag:$0x1] =	stream.linear.gather [hbm4b:s1+s2], $0x8000, $0x38;
	[tilespmem:$0x18000] =	vst v63  }
0x25: {  	s0 =	rddreg [dreg:$0x4]  }
0x26: {  	[tilespmem:s10], [sflag:$0x2] =	stream.linear.gather [hbm4b:s0+s2], $0x8000, $0x38;
	[tilespmem:$0x18000] =	vst v63  }
0x27: {  	s1 =	rddreg [dreg:$0x5]  }
0x28: {  	[tilespmem:s21], [sflag:$0x3] =	stream.linear.gather [hbm4b:s1+s2], $0x8000, $0x38;
	[tilespmem:$0x18000] =	vst v63  }
0x29: {  	_ =	swait.ge [sflag:s22], $0x8000  }
0x2a: {  	[sflag:s22] =	ssyncset.done $0x0  }
0x2b: {  	[sflag:s22] =	ssyncadd.s32 $0xFFFF8000  }
0x2c: {  	[hbm4b:s31+s2] =	stream.linear.scatter [tilespmem:s2], [sflag:$0x4], $0x8000, $0x38;
	[tilespmem:$0x18000] =	vst v63  }
0x2d: {  	s0 =	rddreg [dreg:$0x6]  }
0x2e: {  	[hbm4b:s0+s2] =	stream.linear.scatter [tilespmem:s2], [sflag:$0x4], $0x8000, $0x38;
	[tilespmem:$0x18000] =	vst v63  }
0x2f: {  	s1 =	rddreg [dreg:$0x7]  }
0x30: {  	[hbm4b:s1+s2] =	stream.linear.scatter [tilespmem:s2], [sflag:$0x4], $0x8000, $0x38;
	[tilespmem:$0x18000] =	vst v63  }
0x31: {  	s0 =	rddreg [dreg:$0x8]  }
0x32: {  	[hbm4b:s0+s2] =	stream.linear.scatter [tilespmem:s2], [sflag:$0x4], $0x8000, $0x38;
	[tilespmem:$0x18000] =	vst v63  }
0x33: {  	_ =	swait.ge [sflag:s4], $0x8000  }
0x34: {  	[sflag:s4] =	ssyncset.done $0x0  }
0x35: {  	[sflag:s4] =	ssyncadd.s32 $0xFFFF8000  }
0x36: {  	_ =	swait.ge [sflag:s4], $0x8000  }
0x37: {  	[sflag:s4] =	ssyncset.done $0x0  }
0x38: {  	[sflag:s4] =	ssyncadd.s32 $0xFFFF8000  }
0x39: {  	_ =	swait.ge [sflag:s4], $0x8000  }
0x3a: {  	[sflag:s4] =	ssyncset.done $0x0  }
0x3b: {  	[sflag:s4] =	ssyncadd.s32 $0xFFFF8000  }
0x3c: {  	_ =	swait.ge [sflag:s4], $0x8000  }
0x3d: {  	[sflag:s4] =	ssyncset.done $0x0  }
0x3e: {  	s1 =	rddreg [dreg:$0x9];
	[sflag:s4] =	ssyncadd.s32 $0xFFFF8000  }
0x3f: {  	[tilespmem:s2], [sflag:$0x1] =	stream.linear.gather [hbm4b:s1+s2], $0x8000, $0x38;
	[tilespmem:$0x18000] =	vst v63  }
0x40: {  	_ =	swait.ge [sflag:s20], $0x8000  }
0x41: {  	[sflag:s20] =	ssyncset.done $0x0  }
0x42: {  	s0 =	rddreg [dreg:$0xa];
	[sflag:s20] =	ssyncadd.s32 $0xFFFF8000  }
0x43: {  	[hbm4b:s0+s2] =	stream.linear.scatter [tilespmem:s10], [sflag:$0x5], $0x8000, $0x38;
	[tilespmem:$0x18000] =	vst v63  }
0x44: {  	s1 =	rddreg [dreg:$0xb]  }
0x45: {  	[hbm4b:s1+s2] =	stream.linear.scatter [tilespmem:s10], [sflag:$0x5], $0x8000, $0x38;
	[tilespmem:$0x18000] =	vst v63  }
0x46: {  	s0 =	rddreg [dreg:$0xc]  }
0x47: {  	[hbm4b:s0+s2] =	stream.linear.scatter [tilespmem:s10], [sflag:$0x5], $0x8000, $0x38;
	[tilespmem:$0x18000] =	vst v63  }
0x48: {  	s1 =	rddreg [dreg:$0xd]  }
0x49: {  	[hbm4b:s1+s2] =	stream.linear.scatter [tilespmem:s10], [sflag:$0x5], $0x8000, $0x38;
	[tilespmem:$0x18000] =	vst v63  }
0x4a: {  	_ =	swait.ge [sflag:s3], $0x8000  }
0x4b: {  	[sflag:s3] =	ssyncset.done $0x0  }
0x4c: {  	[sflag:s3] =	ssyncadd.s32 $0xFFFF8000  }
0x4d: {  	_ =	swait.ge [sflag:s3], $0x8000  }
0x4e: {  	[sflag:s3] =	ssyncset.done $0x0  }
0x4f: {  	[sflag:s3] =	ssyncadd.s32 $0xFFFF8000  }
0x50: {  	_ =	swait.ge [sflag:s3], $0x8000  }
0x51: {  	[sflag:s3] =	ssyncset.done $0x0  }
0x52: {  	[sflag:s3] =	ssyncadd.s32 $0xFFFF8000  }
0x53: {  	_ =	swait.ge [sflag:s3], $0x8000  }
0x54: {  	[sflag:s3] =	ssyncset.done $0x0  }
0x55: {  	s1 =	rddreg [dreg:$0xe];
	[sflag:s3] =	ssyncadd.s32 $0xFFFF8000  }
0x56: {  	[tilespmem:s10], [sflag:$0x2] =	stream.linear.gather [hbm4b:s1+s2], $0x8000, $0x38;
	[tilespmem:$0x18000] =	vst v63  }
0x57: {  	_ =	swait.ge [sflag:s29], $0x8000  }
0x58: {  	[sflag:s29] =	ssyncset.done $0x0  }
0x59: {  	s0 =	rddreg [dreg:$0xf];
	[sflag:s29] =	ssyncadd.s32 $0xFFFF8000  }
0x5a: {  	[hbm4b:s0+s2] =	stream.linear.scatter [tilespmem:s21], [sflag:$0x6], $0x8000, $0x38;
	[tilespmem:$0x18000] =	vst v63  }
0x5b: {  	s1 =	rddreg [dreg:$0x10]  }
0x5c: {  	[hbm4b:s1+s2] =	stream.linear.scatter [tilespmem:s21], [sflag:$0x6], $0x8000, $0x38;
	[tilespmem:$0x18000] =	vst v63  }
0x5d: {  	s0 =	rddreg [dreg:$0x11]  }
0x5e: {  	[hbm4b:s0+s2] =	stream.linear.scatter [tilespmem:s21], [sflag:$0x6], $0x8000, $0x38;
	[tilespmem:$0x18000] =	vst v63  }
0x5f: {  	s1 =	rddreg [dreg:$0x12]  }
0x60: {  	[hbm4b:s1+s2] =	stream.linear.scatter [tilespmem:s21], [sflag:$0x6], $0x8000, $0x38;
	[tilespmem:$0x18000] =	vst v63  }
0x61: {  	_ =	swait.ge [sflag:s9], $0x8000  }
0x62: {  	[sflag:s9] =	ssyncset.done $0x0  }
0x63: {  	[sflag:s9] =	ssyncadd.s32 $0xFFFF8000  }
0x64: {  	_ =	swait.ge [sflag:s9], $0x8000  }
0x65: {  	[sflag:s9] =	ssyncset.done $0x0  }
0x66: {  	[sflag:s9] =	ssyncadd.s32 $0xFFFF8000  }
0x67: {  	_ =	swait.ge [sflag:s9], $0x8000  }
0x68: {  	[sflag:s9] =	ssyncset.done $0x0  }
0x69: {  	[sflag:s9] =	ssyncadd.s32 $0xFFFF8000  }
0x6a: {  	_ =	swait.ge [sflag:s9], $0x8000  }
0x6b: {  	[sflag:s9] =	ssyncset.done $0x0  }
0x6c: {  	s1 =	rddreg [dreg:$0x13];
	[sflag:s9] =	ssyncadd.s32 $0xFFFF8000  }
0x6d: {  	[tilespmem:s21], [sflag:$0x3] =	stream.linear.gather [hbm4b:s1+s2], $0x8000, $0x38;
	[tilespmem:$0x18000] =	vst v63  }
0x6e: {  	_ =	swait.ge [sflag:s22], $0x8000  }
0x6f: {  	[sflag:s22] =	ssyncset.done $0x0  }
0x70: {  	s0 =	rddreg [dreg:$0x14];
	[sflag:s22] =	ssyncadd.s32 $0xFFFF8000  }
0x71: {  	[hbm4b:s0+s2] =	stream.linear.scatter [tilespmem:s2], [sflag:$0x4], $0x8000, $0x38;
	[tilespmem:$0x18000] =	vst v63  }
0x72: {  	s1 =	rddreg [dreg:$0x15]  }
0x73: {  	[hbm4b:s1+s2] =	stream.linear.scatter [tilespmem:s2], [sflag:$0x4], $0x8000, $0x38;
	[tilespmem:$0x18000] =	vst v63  }
0x74: {  	s0 =	rddreg [dreg:$0x16]  }
0x75: {  	[hbm4b:s0+s2] =	stream.linear.scatter [tilespmem:s2], [sflag:$0x4], $0x8000, $0x38;
	[tilespmem:$0x18000] =	vst v63  }
0x76: {  	_ = 	snop  }
0x77: {  	[hbm4b:s30+s2] =	stream.linear.scatter [tilespmem:s2], [sflag:$0x4], $0x8000, $0x38;
	[tilespmem:$0x18000] =	vst v63  }
0x78: {  	_ =	swait.ge [sflag:s4], $0x8000  }
0x79: {  	[sflag:s4] =	ssyncset.done $0x0  }
0x7a: {  	[sflag:s4] =	ssyncadd.s32 $0xFFFF8000  }
0x7b: {  	_ =	swait.ge [sflag:s4], $0x8000  }
0x7c: {  	[sflag:s4] =	ssyncset.done $0x0  }
0x7d: {  	[sflag:s4] =	ssyncadd.s32 $0xFFFF8000  }
0x7e: {  	_ =	swait.ge [sflag:s4], $0x8000  }
0x7f: {  	[sflag:s4] =	ssyncset.done $0x0  }
0x80: {  	[sflag:s4] =	ssyncadd.s32 $0xFFFF8000  }
0x81: {  	_ =	swait.ge [sflag:s4], $0x8000  }
0x82: {  	[sflag:s4] =	ssyncset.done $0x0  }
0x83: {  	[sflag:s4] =	ssyncadd.s32 $0xFFFF8000  }
0x84: {  	[tilespmem:s2], [sflag:$0x1] =	stream.linear.gather [hbm4b:s28+s2], $0x8000, $0x38;
	[tilespmem:$0x18000] =	vst v63  }
0x85: {  	_ =	swait.ge [sflag:s20], $0x8000  }
0x86: {  	[sflag:s20] =	ssyncset.done $0x0  }
0x87: {  	[sflag:s20] =	ssyncadd.s32 $0xFFFF8000  }
0x88: {  	[hbm4b:s23+s2] =	stream.linear.scatter [tilespmem:s10], [sflag:$0x5], $0x8000, $0x38;
	[tilespmem:$0x18000] =	vst v63  }
0x89: {  	_ = 	snop  }
0x8a: {  	[hbm4b:s24+s2] =	stream.linear.scatter [tilespmem:s10], [sflag:$0x5], $0x8000, $0x38;
	[tilespmem:$0x18000] =	vst v63  }
0x8b: {  	_ = 	snop  }
0x8c: {  	[hbm4b:s25+s2] =	stream.linear.scatter [tilespmem:s10], [sflag:$0x5], $0x8000, $0x38;
	[tilespmem:$0x18000] =	vst v63  }
0x8d: {  	_ = 	snop  }
0x8e: {  	[hbm4b:s26+s2] =	stream.linear.scatter [tilespmem:s10], [sflag:$0x5], $0x8000, $0x38;
	[tilespmem:$0x18000] =	vst v63  }
0x8f: {  	_ =	swait.ge [sflag:s3], $0x8000  }
0x90: {  	[sflag:s3] =	ssyncset.done $0x0  }
0x91: {  	[sflag:s3] =	ssyncadd.s32 $0xFFFF8000  }
0x92: {  	_ =	swait.ge [sflag:s3], $0x8000  }
0x93: {  	[sflag:s3] =	ssyncset.done $0x0  }
0x94: {  	[sflag:s3] =	ssyncadd.s32 $0xFFFF8000  }
0x95: {  	_ =	swait.ge [sflag:s3], $0x8000  }
0x96: {  	[sflag:s3] =	ssyncset.done $0x0  }
0x97: {  	[sflag:s3] =	ssyncadd.s32 $0xFFFF8000  }
0x98: {  	_ =	swait.ge [sflag:s3], $0x8000  }
0x99: {  	[sflag:s3] =	ssyncset.done $0x0  }
0x9a: {  	[sflag:s3] =	ssyncadd.s32 $0xFFFF8000  }
0x9b: {  	[tilespmem:s10], [sflag:$0x2] =	stream.linear.gather [hbm4b:s19+s2], $0x8000, $0x38;
	[tilespmem:$0x18000] =	vst v63  }
0x9c: {  	_ =	swait.ge [sflag:s29], $0x8000  }
0x9d: {  	[sflag:s29] =	ssyncset.done $0x0  }
0x9e: {  	[sflag:s29] =	ssyncadd.s32 $0xFFFF8000  }
0x9f: {  	[hbm4b:s15+s2] =	stream.linear.scatter [tilespmem:s21], [sflag:$0x6], $0x8000, $0x38;
	[tilespmem:$0x18000] =	vst v63  }
0xa0: {  	_ = 	snop  }
0xa1: {  	[hbm4b:s16+s2] =	stream.linear.scatter [tilespmem:s21], [sflag:$0x6], $0x8000, $0x38;
	[tilespmem:$0x18000] =	vst v63  }
0xa2: {  	_ = 	snop  }
0xa3: {  	[hbm4b:s17+s2] =	stream.linear.scatter [tilespmem:s21], [sflag:$0x6], $0x8000, $0x38;
	[tilespmem:$0x18000] =	vst v63  }
0xa4: {  	_ = 	snop  }
0xa5: {  	[hbm4b:s18+s2] =	stream.linear.scatter [tilespmem:s21], [sflag:$0x6], $0x8000, $0x38;
	[tilespmem:$0x18000] =	vst v63  }
0xa6: {  	_ =	swait.ge [sflag:s22], $0x8000  }
0xa7: {  	[sflag:s22] =	ssyncset.done $0x0  }
0xa8: {  	[sflag:s22] =	ssyncadd.s32 $0xFFFF8000  }
0xa9: {  	[hbm4b:s11+s2] =	stream.linear.scatter [tilespmem:s2], [sflag:$0x4], $0x8000, $0x38;
	[tilespmem:$0x18000] =	vst v63  }
0xaa: {  	_ = 	snop  }
0xab: {  	[hbm4b:s12+s2] =	stream.linear.scatter [tilespmem:s2], [sflag:$0x4], $0x8000, $0x38;
	[tilespmem:$0x18000] =	vst v63  }
0xac: {  	_ = 	snop  }
0xad: {  	[hbm4b:s13+s2] =	stream.linear.scatter [tilespmem:s2], [sflag:$0x4], $0x8000, $0x38;
	[tilespmem:$0x18000] =	vst v63  }
0xae: {  	_ = 	snop  }
0xaf: {  	[hbm4b:s14+s2] =	stream.linear.scatter [tilespmem:s2], [sflag:$0x4], $0x8000, $0x38;
	[tilespmem:$0x18000] =	vst v63  }
0xb0: {  	_ =	swait.ge [sflag:s20], $0x8000  }
0xb1: {  	[sflag:s20] =	ssyncset.done $0x0  }
0xb2: {  	[sflag:s20] =	ssyncadd.s32 $0xFFFF8000  }
0xb3: {  	[hbm4b:s5+s2] =	stream.linear.scatter [tilespmem:s10], [sflag:$0x5], $0x8000, $0x38;
	[tilespmem:$0x18000] =	vst v63  }
0xb4: {  	_ = 	snop  }
0xb5: {  	[hbm4b:s6+s2] =	stream.linear.scatter [tilespmem:s10], [sflag:$0x5], $0x8000, $0x38;
	[tilespmem:$0x18000] =	vst v63  }
0xb6: {  	_ = 	snop  }
0xb7: {  	[hbm4b:s7+s2] =	stream.linear.scatter [tilespmem:s10], [sflag:$0x5], $0x8000, $0x38;
	[tilespmem:$0x18000] =	vst v63  }
0xb8: {  	_ = 	snop  }
0xb9: {  	[hbm4b:s8+s2] =	stream.linear.scatter [tilespmem:s10], [sflag:$0x5], $0x8000, $0x38;
	[tilespmem:$0x18000] =	vst v63  }
0xba: {  	_ =	swait.ge [sflag:s9], $0x8000  }
0xbb: {  	[sflag:s9] =	ssyncset.done $0x0  }
0xbc: {  	[sflag:s9] =	ssyncadd.s32 $0xFFFF8000  }
0xbd: {  	_ =	swait.ge [sflag:s9], $0x8000  }
0xbe: {  	[sflag:s9] =	ssyncset.done $0x0  }
0xbf: {  	[sflag:s9] =	ssyncadd.s32 $0xFFFF8000  }
0xc0: {  	_ =	swait.ge [sflag:s9], $0x8000  }
0xc1: {  	[sflag:s9] =	ssyncset.done $0x0  }
0xc2: {  	[sflag:s9] =	ssyncadd.s32 $0xFFFF8000  }
0xc3: {  	_ =	swait.ge [sflag:s9], $0x8000  }
0xc4: {  	[sflag:s9] =	ssyncset.done $0x0  }
0xc5: {  	[sflag:s9] =	ssyncadd.s32 $0xFFFF8000  }
0xc6: {  	_ =	swait.ge [sflag:s4], $0x8000  }
0xc7: {  	[sflag:s4] =	ssyncset.done $0x0  }
0xc8: {  	[sflag:s4] =	ssyncadd.s32 $0xFFFF8000  }
0xc9: {  	_ =	swait.ge [sflag:s4], $0x8000  }
0xca: {  	[sflag:s4] =	ssyncset.done $0x0  }
0xcb: {  	[sflag:s4] =	ssyncadd.s32 $0xFFFF8000  }
0xcc: {  	_ =	swait.ge [sflag:s4], $0x8000  }
0xcd: {  	[sflag:s4] =	ssyncset.done $0x0  }
0xce: {  	[sflag:s4] =	ssyncadd.s32 $0xFFFF8000  }
0xcf: {  	_ =	swait.ge [sflag:s4], $0x8000  }
0xd0: {  	[sflag:s4] =	ssyncset.done $0x0  }
0xd1: {  	[sflag:s4] =	ssyncadd.s32 $0xFFFF8000  }
0xd2: {  	_ =	swait.ge [sflag:s3], $0x8000  }
0xd3: {  	[sflag:s3] =	ssyncset.done $0x0  }
0xd4: {  	[sflag:s3] =	ssyncadd.s32 $0xFFFF8000  }
0xd5: {  	_ =	swait.ge [sflag:s3], $0x8000  }
0xd6: {  	[sflag:s3] =	ssyncset.done $0x0  }
0xd7: {  	[sflag:s3] =	ssyncadd.s32 $0xFFFF8000  }
0xd8: {  	_ =	swait.ge [sflag:s3], $0x8000  }
0xd9: {  	s1 =	rddreg [dreg:$0x18]  }
0xda: {  	p1 =	sne.s32 s1, $0x1  }
.Ltmp1:
0xdb: {  	_ = 	snop;
	(pc) =	sbr.rel @!p1 .LBB2_2-.Ltmp1, $4  }
0xdc: {  	[sflag:s3] =	ssyncset.done $0x0  }
0xdd: {  	[sflag:s3] =	ssyncadd.s32 $0xFFFF8000  }
0xde: {  	p0 =	por $0x1, $0x1;
	_ =	swait.ge [sflag:s3], $0x8000;
	[dreg:$0x17] =	wrdreg s31  }
0xdf: {  	s0 =	sadd.s32 $0xFFFFFFFF, s1;
	s1 =	rddreg [dreg:$0x3];
	[sflag:s3] =	ssyncset.done $0x0  }
.LBB2_3:
0xe0: {  	[sflag:s3] =	ssyncadd.s32 $0xFFFF8000;
	s31 =	smov.u32 s30;
	s30 =	smov.u32 s28  }
0xe1: {  	s28 =	smov.u32 s26;
	s26 =	smov.u32 s25;
	s25 =	smov.u32 s24  }
0xe2: {  	s24 =	smov.u32 s23;
	s23 =	smov.u32 s19;
	s19 =	smov.u32 s18  }
0xe3: {  	s18 =	smov.u32 s17;
	s17 =	smov.u32 s16;
	s16 =	smov.u32 s15  }
0xe4: {  	s15 =	smov.u32 s14;
	s14 =	smov.u32 s13;
	s13 =	smov.u32 s12  }
0xe5: {  	s12 =	smov.u32 s11;
	s11 =	smov.u32 s8;
	s8 =	smov.u32 s7  }
0xe6: {  	[tilespmem:s2], [sflag:$0x1] =	stream.linear.gather [hbm4b:s1+s2], $0x8000, $0x38;
	[tilespmem:$0x18000] =	vst v63  }
0xe7: {  	s7 =	smov.u32 s6;
	s6 =	smov.u32 s5;
	s5 =	rddreg [dreg:$0x4]  }
0xe8: {  	[tilespmem:s10], [sflag:$0x2] =	stream.linear.gather [hbm4b:s5+s2], $0x8000, $0x38;
	[tilespmem:$0x18000] =	vst v63  }
0xe9: {  	s1 =	rddreg [dreg:$0x5]  }
0xea: {  	[tilespmem:s21], [sflag:$0x3] =	stream.linear.gather [hbm4b:s1+s2], $0x8000, $0x38;
	[tilespmem:$0x18000] =	vst v63  }
0xeb: {  	_ =	swait.ge [sflag:s22], $0x8000  }
0xec: {  	[sflag:s22] =	ssyncset.done $0x0  }
0xed: {  	s5 =	rddreg [dreg:$0x17];
	[sflag:s22] =	ssyncadd.s32 $0xFFFF8000  }
0xee: {  	[hbm4b:s5+s2] =	stream.linear.scatter [tilespmem:s2], [sflag:$0x4], $0x8000, $0x38;
	[tilespmem:$0x18000] =	vst v63  }
0xef: {  	s1 =	rddreg [dreg:$0x6]  }
0xf0: {  	[hbm4b:s1+s2] =	stream.linear.scatter [tilespmem:s2], [sflag:$0x4], $0x8000, $0x38;
	[tilespmem:$0x18000] =	vst v63  }
0xf1: {  	s5 =	rddreg [dreg:$0x7]  }
0xf2: {  	[hbm4b:s5+s2] =	stream.linear.scatter [tilespmem:s2], [sflag:$0x4], $0x8000, $0x38;
	[tilespmem:$0x18000] =	vst v63  }
0xf3: {  	s1 =	rddreg [dreg:$0x8]  }
0xf4: {  	[hbm4b:s1+s2] =	stream.linear.scatter [tilespmem:s2], [sflag:$0x4], $0x8000, $0x38;
	[tilespmem:$0x18000] =	vst v63  }
0xf5: {  	_ =	swait.ge [sflag:s4], $0x8000  }
0xf6: {  	[sflag:s4] =	ssyncset.done $0x0  }
0xf7: {  	[sflag:s4] =	ssyncadd.s32 $0xFFFF8000  }
0xf8: {  	_ =	swait.ge [sflag:s4], $0x8000  }
0xf9: {  	[sflag:s4] =	ssyncset.done $0x0  }
0xfa: {  	[sflag:s4] =	ssyncadd.s32 $0xFFFF8000  }
0xfb: {  	_ =	swait.ge [sflag:s4], $0x8000  }
0xfc: {  	[sflag:s4] =	ssyncset.done $0x0  }
0xfd: {  	[sflag:s4] =	ssyncadd.s32 $0xFFFF8000  }
0xfe: {  	_ =	swait.ge [sflag:s4], $0x8000  }
0xff: {  	[sflag:s4] =	ssyncset.done $0x0  }
0x100: {  	s5 =	rddreg [dreg:$0x9];
	[sflag:s4] =	ssyncadd.s32 $0xFFFF8000  }
0x101: {  	[tilespmem:s2], [sflag:$0x1] =	stream.linear.gather [hbm4b:s5+s2], $0x8000, $0x38;
	[tilespmem:$0x18000] =	vst v63  }
0x102: {  	_ =	swait.ge [sflag:s20], $0x8000  }
0x103: {  	[sflag:s20] =	ssyncset.done $0x0  }
0x104: {  	s1 =	rddreg [dreg:$0xa];
	[sflag:s20] =	ssyncadd.s32 $0xFFFF8000  }
0x105: {  	[hbm4b:s1+s2] =	stream.linear.scatter [tilespmem:s10], [sflag:$0x5], $0x8000, $0x38;
	[tilespmem:$0x18000] =	vst v63  }
0x106: {  	s5 =	rddreg [dreg:$0xb]  }
0x107: {  	[hbm4b:s5+s2] =	stream.linear.scatter [tilespmem:s10], [sflag:$0x5], $0x8000, $0x38;
	[tilespmem:$0x18000] =	vst v63  }
0x108: {  	s1 =	rddreg [dreg:$0xc]  }
0x109: {  	[hbm4b:s1+s2] =	stream.linear.scatter [tilespmem:s10], [sflag:$0x5], $0x8000, $0x38;
	[tilespmem:$0x18000] =	vst v63  }
0x10a: {  	s5 =	rddreg [dreg:$0xd]  }
0x10b: {  	[hbm4b:s5+s2] =	stream.linear.scatter [tilespmem:s10], [sflag:$0x5], $0x8000, $0x38;
	[tilespmem:$0x18000] =	vst v63  }
0x10c: {  	_ =	swait.ge [sflag:s3], $0x8000  }
0x10d: {  	[sflag:s3] =	ssyncset.done $0x0  }
0x10e: {  	[sflag:s3] =	ssyncadd.s32 $0xFFFF8000  }
0x10f: {  	_ =	swait.ge [sflag:s3], $0x8000  }
0x110: {  	[sflag:s3] =	ssyncset.done $0x0  }
0x111: {  	[sflag:s3] =	ssyncadd.s32 $0xFFFF8000  }
0x112: {  	_ =	swait.ge [sflag:s3], $0x8000  }
0x113: {  	[sflag:s3] =	ssyncset.done $0x0  }
0x114: {  	[sflag:s3] =	ssyncadd.s32 $0xFFFF8000  }
0x115: {  	_ =	swait.ge [sflag:s3], $0x8000  }
0x116: {  	[sflag:s3] =	ssyncset.done $0x0  }
0x117: {  	s5 =	rddreg [dreg:$0xe];
	[sflag:s3] =	ssyncadd.s32 $0xFFFF8000  }
0x118: {  	[tilespmem:s10], [sflag:$0x2] =	stream.linear.gather [hbm4b:s5+s2], $0x8000, $0x38;
	[tilespmem:$0x18000] =	vst v63  }
0x119: {  	_ =	swait.ge [sflag:s29], $0x8000  }
0x11a: {  	[sflag:s29] =	ssyncset.done $0x0  }
0x11b: {  	s1 =	rddreg [dreg:$0xf];
	[sflag:s29] =	ssyncadd.s32 $0xFFFF8000  }
0x11c: {  	[hbm4b:s1+s2] =	stream.linear.scatter [tilespmem:s21], [sflag:$0x6], $0x8000, $0x38;
	[tilespmem:$0x18000] =	vst v63  }
0x11d: {  	s5 =	rddreg [dreg:$0x10]  }
0x11e: {  	[hbm4b:s5+s2] =	stream.linear.scatter [tilespmem:s21], [sflag:$0x6], $0x8000, $0x38;
	[tilespmem:$0x18000] =	vst v63  }
0x11f: {  	s1 =	rddreg [dreg:$0x11]  }
0x120: {  	[hbm4b:s1+s2] =	stream.linear.scatter [tilespmem:s21], [sflag:$0x6], $0x8000, $0x38;
	[tilespmem:$0x18000] =	vst v63  }
0x121: {  	s5 =	rddreg [dreg:$0x12]  }
0x122: {  	[hbm4b:s5+s2] =	stream.linear.scatter [tilespmem:s21], [sflag:$0x6], $0x8000, $0x38;
	[tilespmem:$0x18000] =	vst v63  }
0x123: {  	_ =	swait.ge [sflag:s9], $0x8000  }
0x124: {  	[sflag:s9] =	ssyncset.done $0x0  }
0x125: {  	[sflag:s9] =	ssyncadd.s32 $0xFFFF8000  }
0x126: {  	_ =	swait.ge [sflag:s9], $0x8000  }
0x127: {  	[sflag:s9] =	ssyncset.done $0x0  }
0x128: {  	[sflag:s9] =	ssyncadd.s32 $0xFFFF8000  }
0x129: {  	_ =	swait.ge [sflag:s9], $0x8000  }
0x12a: {  	[sflag:s9] =	ssyncset.done $0x0  }
0x12b: {  	[sflag:s9] =	ssyncadd.s32 $0xFFFF8000  }
0x12c: {  	_ =	swait.ge [sflag:s9], $0x8000  }
0x12d: {  	[sflag:s9] =	ssyncset.done $0x0  }
0x12e: {  	s5 =	rddreg [dreg:$0x13];
	[sflag:s9] =	ssyncadd.s32 $0xFFFF8000  }
0x12f: {  	[tilespmem:s21], [sflag:$0x3] =	stream.linear.gather [hbm4b:s5+s2], $0x8000, $0x38;
	[tilespmem:$0x18000] =	vst v63  }
0x130: {  	_ =	swait.ge [sflag:s22], $0x8000  }
0x131: {  	[sflag:s22] =	ssyncset.done $0x0  }
0x132: {  	s1 =	rddreg [dreg:$0x14];
	[sflag:s22] =	ssyncadd.s32 $0xFFFF8000  }
0x133: {  	[hbm4b:s1+s2] =	stream.linear.scatter [tilespmem:s2], [sflag:$0x4], $0x8000, $0x38;
	[tilespmem:$0x18000] =	vst v63  }
0x134: {  	s5 =	rddreg [dreg:$0x15]  }
0x135: {  	[hbm4b:s5+s2] =	stream.linear.scatter [tilespmem:s2], [sflag:$0x4], $0x8000, $0x38;
	[tilespmem:$0x18000] =	vst v63  }
0x136: {  	s1 =	rddreg [dreg:$0x16]  }
0x137: {  	[hbm4b:s1+s2] =	stream.linear.scatter [tilespmem:s2], [sflag:$0x4], $0x8000, $0x38;
	[tilespmem:$0x18000] =	vst v63  }
0x138: {  	_ = 	snop  }
0x139: {  	[hbm4b:s31+s2] =	stream.linear.scatter [tilespmem:s2], [sflag:$0x4], $0x8000, $0x38;
	[tilespmem:$0x18000] =	vst v63  }
0x13a: {  	_ =	swait.ge [sflag:s4], $0x8000  }
0x13b: {  	[sflag:s4] =	ssyncset.done $0x0  }
0x13c: {  	[sflag:s4] =	ssyncadd.s32 $0xFFFF8000  }
0x13d: {  	s5 =	smov.u32 s6;
	s6 =	smov.u32 s7;
	_ =	swait.ge [sflag:s4], $0x8000  }
0x13e: {  	s7 =	smov.u32 s8;
	s8 =	smov.u32 s11;
	[sflag:s4] =	ssyncset.done $0x0  }
0x13f: {  	s11 =	smov.u32 s12;
	s12 =	smov.u32 s13;
	[sflag:s4] =	ssyncadd.s32 $0xFFFF8000  }
0x140: {  	s13 =	smov.u32 s14;
	s14 =	smov.u32 s15;
	_ =	swait.ge [sflag:s4], $0x8000  }
0x141: {  	s15 =	smov.u32 s16;
	s16 =	smov.u32 s17;
	[sflag:s4] =	ssyncset.done $0x0  }
0x142: {  	s17 =	smov.u32 s18;
	s18 =	smov.u32 s19;
	[sflag:s4] =	ssyncadd.s32 $0xFFFF8000  }
0x143: {  	s19 =	smov.u32 s23;
	s23 =	smov.u32 s24;
	_ =	swait.ge [sflag:s4], $0x8000  }
0x144: {  	s24 =	smov.u32 s25;
	s25 =	smov.u32 s26;
	[sflag:s4] =	ssyncset.done $0x0  }
0x145: {  	s26 =	smov.u32 s28;
	s28 =	smov.u32 s30;
	[sflag:s4] =	ssyncadd.s32 $0xFFFF8000  }
0x146: {  	[tilespmem:s2], [sflag:$0x1] =	stream.linear.gather [hbm4b:s28+s2], $0x8000, $0x38;
	[tilespmem:$0x18000] =	vst v63  }
0x147: {  	_ =	swait.ge [sflag:s20], $0x8000  }
0x148: {  	[sflag:s20] =	ssyncset.done $0x0  }
0x149: {  	[sflag:s20] =	ssyncadd.s32 $0xFFFF8000  }
0x14a: {  	[hbm4b:s23+s2] =	stream.linear.scatter [tilespmem:s10], [sflag:$0x5], $0x8000, $0x38;
	[tilespmem:$0x18000] =	vst v63  }
0x14b: {  	_ = 	snop  }
0x14c: {  	[hbm4b:s24+s2] =	stream.linear.scatter [tilespmem:s10], [sflag:$0x5], $0x8000, $0x38;
	[tilespmem:$0x18000] =	vst v63  }
0x14d: {  	_ = 	snop  }
0x14e: {  	[hbm4b:s25+s2] =	stream.linear.scatter [tilespmem:s10], [sflag:$0x5], $0x8000, $0x38;
	[tilespmem:$0x18000] =	vst v63  }
0x14f: {  	_ = 	snop  }
0x150: {  	[hbm4b:s26+s2] =	stream.linear.scatter [tilespmem:s10], [sflag:$0x5], $0x8000, $0x38;
	[tilespmem:$0x18000] =	vst v63  }
0x151: {  	_ =	swait.ge [sflag:s3], $0x8000  }
0x152: {  	[sflag:s3] =	ssyncset.done $0x0  }
0x153: {  	[sflag:s3] =	ssyncadd.s32 $0xFFFF8000  }
0x154: {  	_ =	swait.ge [sflag:s3], $0x8000  }
0x155: {  	[sflag:s3] =	ssyncset.done $0x0  }
0x156: {  	[sflag:s3] =	ssyncadd.s32 $0xFFFF8000  }
0x157: {  	_ =	swait.ge [sflag:s3], $0x8000  }
0x158: {  	[sflag:s3] =	ssyncset.done $0x0  }
0x159: {  	[sflag:s3] =	ssyncadd.s32 $0xFFFF8000  }
0x15a: {  	_ =	swait.ge [sflag:s3], $0x8000  }
0x15b: {  	[sflag:s3] =	ssyncset.done $0x0  }
0x15c: {  	[sflag:s3] =	ssyncadd.s32 $0xFFFF8000  }
0x15d: {  	[tilespmem:s10], [sflag:$0x2] =	stream.linear.gather [hbm4b:s19+s2], $0x8000, $0x38;
	[tilespmem:$0x18000] =	vst v63  }
0x15e: {  	_ =	swait.ge [sflag:s29], $0x8000  }
0x15f: {  	[sflag:s29] =	ssyncset.done $0x0  }
0x160: {  	[sflag:s29] =	ssyncadd.s32 $0xFFFF8000  }
0x161: {  	[hbm4b:s15+s2] =	stream.linear.scatter [tilespmem:s21], [sflag:$0x6], $0x8000, $0x38;
	[tilespmem:$0x18000] =	vst v63  }
0x162: {  	_ = 	snop  }
0x163: {  	[hbm4b:s16+s2] =	stream.linear.scatter [tilespmem:s21], [sflag:$0x6], $0x8000, $0x38;
	[tilespmem:$0x18000] =	vst v63  }
0x164: {  	_ = 	snop  }
0x165: {  	[hbm4b:s17+s2] =	stream.linear.scatter [tilespmem:s21], [sflag:$0x6], $0x8000, $0x38;
	[tilespmem:$0x18000] =	vst v63  }
0x166: {  	_ = 	snop  }
0x167: {  	[hbm4b:s18+s2] =	stream.linear.scatter [tilespmem:s21], [sflag:$0x6], $0x8000, $0x38;
	[tilespmem:$0x18000] =	vst v63  }
0x168: {  	_ =	swait.ge [sflag:s22], $0x8000  }
0x169: {  	[sflag:s22] =	ssyncset.done $0x0  }
0x16a: {  	[sflag:s22] =	ssyncadd.s32 $0xFFFF8000  }
0x16b: {  	[hbm4b:s11+s2] =	stream.linear.scatter [tilespmem:s2], [sflag:$0x4], $0x8000, $0x38;
	[tilespmem:$0x18000] =	vst v63  }
0x16c: {  	_ = 	snop  }
0x16d: {  	[hbm4b:s12+s2] =	stream.linear.scatter [tilespmem:s2], [sflag:$0x4], $0x8000, $0x38;
	[tilespmem:$0x18000] =	vst v63  }
0x16e: {  	_ = 	snop  }
0x16f: {  	[hbm4b:s13+s2] =	stream.linear.scatter [tilespmem:s2], [sflag:$0x4], $0x8000, $0x38;
	[tilespmem:$0x18000] =	vst v63  }
0x170: {  	_ = 	snop  }
0x171: {  	[hbm4b:s14+s2] =	stream.linear.scatter [tilespmem:s2], [sflag:$0x4], $0x8000, $0x38;
	[tilespmem:$0x18000] =	vst v63  }
0x172: {  	_ =	swait.ge [sflag:s20], $0x8000  }
0x173: {  	[sflag:s20] =	ssyncset.done $0x0  }
0x174: {  	[sflag:s20] =	ssyncadd.s32 $0xFFFF8000  }
0x175: {  	[hbm4b:s5+s2] =	stream.linear.scatter [tilespmem:s10], [sflag:$0x5], $0x8000, $0x38;
	[tilespmem:$0x18000] =	vst v63  }
0x176: {  	_ = 	snop  }
0x177: {  	[hbm4b:s6+s2] =	stream.linear.scatter [tilespmem:s10], [sflag:$0x5], $0x8000, $0x38;
	[tilespmem:$0x18000] =	vst v63  }
0x178: {  	_ = 	snop  }
0x179: {  	[hbm4b:s7+s2] =	stream.linear.scatter [tilespmem:s10], [sflag:$0x5], $0x8000, $0x38;
	[tilespmem:$0x18000] =	vst v63  }
0x17a: {  	_ = 	snop  }
0x17b: {  	[hbm4b:s8+s2] =	stream.linear.scatter [tilespmem:s10], [sflag:$0x5], $0x8000, $0x38;
	[tilespmem:$0x18000] =	vst v63  }
0x17c: {  	_ =	swait.ge [sflag:s9], $0x8000  }
0x17d: {  	[sflag:s9] =	ssyncset.done $0x0  }
0x17e: {  	[sflag:s9] =	ssyncadd.s32 $0xFFFF8000  }
0x17f: {  	_ =	swait.ge [sflag:s9], $0x8000  }
0x180: {  	[sflag:s9] =	ssyncset.done $0x0  }
0x181: {  	[sflag:s9] =	ssyncadd.s32 $0xFFFF8000  }
0x182: {  	_ =	swait.ge [sflag:s9], $0x8000  }
0x183: {  	[sflag:s9] =	ssyncset.done $0x0  }
0x184: {  	[sflag:s9] =	ssyncadd.s32 $0xFFFF8000  }
0x185: {  	_ =	swait.ge [sflag:s9], $0x8000  }
0x186: {  	[sflag:s9] =	ssyncset.done $0x0  }
0x187: {  	[sflag:s9] =	ssyncadd.s32 $0xFFFF8000  }
0x188: {  	_ =	swait.ge [sflag:s4], $0x8000  }
0x189: {  	[sflag:s4] =	ssyncset.done $0x0  }
0x18a: {  	[sflag:s4] =	ssyncadd.s32 $0xFFFF8000  }
0x18b: {  	_ =	swait.ge [sflag:s4], $0x8000  }
0x18c: {  	[sflag:s4] =	ssyncset.done $0x0  }
0x18d: {  	[sflag:s4] =	ssyncadd.s32 $0xFFFF8000  }
0x18e: {  	_ =	swait.ge [sflag:s4], $0x8000  }
0x18f: {  	[sflag:s4] =	ssyncset.done $0x0  }
0x190: {  	[sflag:s4] =	ssyncadd.s32 $0xFFFF8000  }
0x191: {  	_ =	swait.ge [sflag:s4], $0x8000  }
0x192: {  	[sflag:s4] =	ssyncset.done $0x0  }
0x193: {  	[sflag:s4] =	ssyncadd.s32 $0xFFFF8000  }
0x194: {  	_ =	swait.ge [sflag:s3], $0x8000  }
0x195: {  	[sflag:s3] =	ssyncset.done $0x0  }
0x196: {  	[sflag:s3] =	ssyncadd.s32 $0xFFFF8000  }
0x197: {  	_ =	swait.ge [sflag:s3], $0x8000  }
0x198: {  	[sflag:s3] =	ssyncset.done $0x0  }
0x199: {  	p1 =	sne.s32 s0, $0x1;
	[sflag:s3] =	ssyncadd.s32 $0xFFFF8000  }
.Ltmp2:
0x19a: {  	_ =	swait.ge [sflag:s3], $0x8000;
	(pc) =	sbr.rel @p1 .LBB2_3-.Ltmp2, $4  }
0x19b: {  	[sflag:s3] =	ssyncset.done $0x0  }
0x19c: {  	[sflag:s3] =	ssyncadd.s32 $0xFFFF8000  }
0x19d: {  	s0 =	sadd.s32 $0xFFFFFFFF, s0;
	_ =	swait.ge [sflag:s3], $0x8000  }
0x19e: {  	s30 =	smov.u32 s31;
	s1 =	rddreg [dreg:$0x3];
	[sflag:s3] =	ssyncset.done $0x0  }
0x19f: {  	s31 =	rddreg [dreg:$0x17]  }
.LBB2_5:
0x1a0: {  	[sflag:s3] =	ssyncadd.s32 @p0 $0xFFFF8000  }
0x1a1: {  	[tilespmem:s2], [sflag:$0x1] =	stream.linear.gather [hbm4b:s1+s2], $0x8000, $0x38;
	[tilespmem:$0x18000] =	vst v63  }
0x1a2: {  	s0 =	rddreg [dreg:$0x4]  }
0x1a3: {  	[tilespmem:s10], [sflag:$0x2] =	stream.linear.gather [hbm4b:s0+s2], $0x8000, $0x38;
	[tilespmem:$0x18000] =	vst v63  }
0x1a4: {  	s1 =	rddreg [dreg:$0x5]  }
0x1a5: {  	[tilespmem:s21], [sflag:$0x3] =	stream.linear.gather [hbm4b:s1+s2], $0x8000, $0x38;
	[tilespmem:$0x18000] =	vst v63  }
0x1a6: {  	_ =	swait.ge [sflag:s22], $0x8000  }
0x1a7: {  	[sflag:s22] =	ssyncset.done $0x0  }
0x1a8: {  	[sflag:s22] =	ssyncadd.s32 $0xFFFF8000  }
0x1a9: {  	[hbm4b:s31+s2] =	stream.linear.scatter [tilespmem:s2], [sflag:$0x4], $0x8000, $0x38;
	[tilespmem:$0x18000] =	vst v63  }
0x1aa: {  	s0 =	rddreg [dreg:$0x6]  }
0x1ab: {  	[hbm4b:s0+s2] =	stream.linear.scatter [tilespmem:s2], [sflag:$0x4], $0x8000, $0x38;
	[tilespmem:$0x18000] =	vst v63  }
0x1ac: {  	s1 =	rddreg [dreg:$0x7]  }
0x1ad: {  	[hbm4b:s1+s2] =	stream.linear.scatter [tilespmem:s2], [sflag:$0x4], $0x8000, $0x38;
	[tilespmem:$0x18000] =	vst v63  }
0x1ae: {  	s31 =	rddreg [dreg:$0x8]  }
0x1af: {  	[hbm4b:s31+s2] =	stream.linear.scatter [tilespmem:s2], [sflag:$0x4], $0x8000, $0x38;
	[tilespmem:$0x18000] =	vst v63  }
0x1b0: {  	_ =	swait.ge [sflag:s4], $0x8000  }
0x1b1: {  	[sflag:s4] =	ssyncset.done $0x0  }
0x1b2: {  	[sflag:s4] =	ssyncadd.s32 $0xFFFF8000  }
0x1b3: {  	_ =	swait.ge [sflag:s4], $0x8000  }
0x1b4: {  	[sflag:s4] =	ssyncset.done $0x0  }
0x1b5: {  	[sflag:s4] =	ssyncadd.s32 $0xFFFF8000  }
0x1b6: {  	_ =	swait.ge [sflag:s4], $0x8000  }
0x1b7: {  	[sflag:s4] =	ssyncset.done $0x0  }
0x1b8: {  	[sflag:s4] =	ssyncadd.s32 $0xFFFF8000  }
0x1b9: {  	_ =	swait.ge [sflag:s4], $0x8000  }
0x1ba: {  	[sflag:s4] =	ssyncset.done $0x0  }
0x1bb: {  	s31 =	rddreg [dreg:$0x9];
	[sflag:s4] =	ssyncadd.s32 $0xFFFF8000  }
0x1bc: {  	[tilespmem:s2], [sflag:$0x1] =	stream.linear.gather [hbm4b:s31+s2], $0x8000, $0x38;
	[tilespmem:$0x18000] =	vst v63  }
0x1bd: {  	_ =	swait.ge [sflag:s20], $0x8000  }
0x1be: {  	[sflag:s20] =	ssyncset.done $0x0  }
0x1bf: {  	s1 =	rddreg [dreg:$0xa];
	[sflag:s20] =	ssyncadd.s32 $0xFFFF8000  }
0x1c0: {  	[hbm4b:s1+s2] =	stream.linear.scatter [tilespmem:s10], [sflag:$0x5], $0x8000, $0x38;
	[tilespmem:$0x18000] =	vst v63  }
0x1c1: {  	s31 =	rddreg [dreg:$0xb]  }
0x1c2: {  	[hbm4b:s31+s2] =	stream.linear.scatter [tilespmem:s10], [sflag:$0x5], $0x8000, $0x38;
	[tilespmem:$0x18000] =	vst v63  }
0x1c3: {  	s0 =	rddreg [dreg:$0xc]  }
0x1c4: {  	[hbm4b:s0+s2] =	stream.linear.scatter [tilespmem:s10], [sflag:$0x5], $0x8000, $0x38;
	[tilespmem:$0x18000] =	vst v63  }
0x1c5: {  	s31 =	rddreg [dreg:$0xd]  }
0x1c6: {  	[hbm4b:s31+s2] =	stream.linear.scatter [tilespmem:s10], [sflag:$0x5], $0x8000, $0x38;
	[tilespmem:$0x18000] =	vst v63  }
0x1c7: {  	_ =	swait.ge [sflag:s3], $0x8000  }
0x1c8: {  	[sflag:s3] =	ssyncset.done $0x0  }
0x1c9: {  	[sflag:s3] =	ssyncadd.s32 $0xFFFF8000  }
0x1ca: {  	_ =	swait.ge [sflag:s3], $0x8000  }
0x1cb: {  	[sflag:s3] =	ssyncset.done $0x0  }
0x1cc: {  	[sflag:s3] =	ssyncadd.s32 $0xFFFF8000  }
0x1cd: {  	_ =	swait.ge [sflag:s3], $0x8000  }
0x1ce: {  	[sflag:s3] =	ssyncset.done $0x0  }
0x1cf: {  	[sflag:s3] =	ssyncadd.s32 $0xFFFF8000  }
0x1d0: {  	_ =	swait.ge [sflag:s3], $0x8000  }
0x1d1: {  	[sflag:s3] =	ssyncset.done $0x0  }
0x1d2: {  	s31 =	rddreg [dreg:$0xe];
	[sflag:s3] =	ssyncadd.s32 $0xFFFF8000  }
0x1d3: {  	[tilespmem:s10], [sflag:$0x2] =	stream.linear.gather [hbm4b:s31+s2], $0x8000, $0x38;
	[tilespmem:$0x18000] =	vst v63  }
0x1d4: {  	_ =	swait.ge [sflag:s29], $0x8000  }
0x1d5: {  	[sflag:s29] =	ssyncset.done $0x0  }
0x1d6: {  	s1 =	rddreg [dreg:$0xf];
	[sflag:s29] =	ssyncadd.s32 $0xFFFF8000  }
0x1d7: {  	[hbm4b:s1+s2] =	stream.linear.scatter [tilespmem:s21], [sflag:$0x6], $0x8000, $0x38;
	[tilespmem:$0x18000] =	vst v63  }
0x1d8: {  	s31 =	rddreg [dreg:$0x10]  }
0x1d9: {  	[hbm4b:s31+s2] =	stream.linear.scatter [tilespmem:s21], [sflag:$0x6], $0x8000, $0x38;
	[tilespmem:$0x18000] =	vst v63  }
0x1da: {  	s0 =	rddreg [dreg:$0x11]  }
0x1db: {  	[hbm4b:s0+s2] =	stream.linear.scatter [tilespmem:s21], [sflag:$0x6], $0x8000, $0x38;
	[tilespmem:$0x18000] =	vst v63  }
0x1dc: {  	s31 =	rddreg [dreg:$0x12]  }
0x1dd: {  	[hbm4b:s31+s2] =	stream.linear.scatter [tilespmem:s21], [sflag:$0x6], $0x8000, $0x38;
	[tilespmem:$0x18000] =	vst v63  }
0x1de: {  	_ =	swait.ge [sflag:s9], $0x8000  }
0x1df: {  	[sflag:s9] =	ssyncset.done $0x0  }
0x1e0: {  	[sflag:s9] =	ssyncadd.s32 $0xFFFF8000  }
0x1e1: {  	_ =	swait.ge [sflag:s9], $0x8000  }
0x1e2: {  	[sflag:s9] =	ssyncset.done $0x0  }
0x1e3: {  	[sflag:s9] =	ssyncadd.s32 $0xFFFF8000  }
0x1e4: {  	_ =	swait.ge [sflag:s9], $0x8000  }
0x1e5: {  	[sflag:s9] =	ssyncset.done $0x0  }
0x1e6: {  	[sflag:s9] =	ssyncadd.s32 $0xFFFF8000  }
0x1e7: {  	_ =	swait.ge [sflag:s9], $0x8000  }
0x1e8: {  	[sflag:s9] =	ssyncset.done $0x0  }
0x1e9: {  	s1 =	rddreg [dreg:$0x13];
	[sflag:s9] =	ssyncadd.s32 $0xFFFF8000  }
0x1ea: {  	[tilespmem:s21], [sflag:$0x3] =	stream.linear.gather [hbm4b:s1+s2], $0x8000, $0x38;
	[tilespmem:$0x18000] =	vst v63  }
0x1eb: {  	_ =	swait.ge [sflag:s22], $0x8000  }
0x1ec: {  	[sflag:s22] =	ssyncset.done $0x0  }
0x1ed: {  	s31 =	rddreg [dreg:$0x14];
	[sflag:s22] =	ssyncadd.s32 $0xFFFF8000  }
0x1ee: {  	[hbm4b:s31+s2] =	stream.linear.scatter [tilespmem:s2], [sflag:$0x4], $0x8000, $0x38;
	[tilespmem:$0x18000] =	vst v63  }
0x1ef: {  	s1 =	rddreg [dreg:$0x15]  }
0x1f0: {  	[hbm4b:s1+s2] =	stream.linear.scatter [tilespmem:s2], [sflag:$0x4], $0x8000, $0x38;
	[tilespmem:$0x18000] =	vst v63  }
0x1f1: {  	s31 =	rddreg [dreg:$0x16]  }
0x1f2: {  	[hbm4b:s31+s2] =	stream.linear.scatter [tilespmem:s2], [sflag:$0x4], $0x8000, $0x38;
	[tilespmem:$0x18000] =	vst v63  }
0x1f3: {  	_ = 	snop  }
0x1f4: {  	[hbm4b:s30+s2] =	stream.linear.scatter [tilespmem:s2], [sflag:$0x4], $0x8000, $0x38;
	[tilespmem:$0x18000] =	vst v63  }
0x1f5: {  	_ =	swait.ge [sflag:s4], $0x8000  }
0x1f6: {  	[sflag:s4] =	ssyncset.done $0x0  }
0x1f7: {  	[sflag:s4] =	ssyncadd.s32 $0xFFFF8000  }
0x1f8: {  	_ =	swait.ge [sflag:s4], $0x8000  }
0x1f9: {  	[sflag:s4] =	ssyncset.done $0x0  }
0x1fa: {  	[sflag:s4] =	ssyncadd.s32 $0xFFFF8000  }
0x1fb: {  	_ =	swait.ge [sflag:s4], $0x8000  }
0x1fc: {  	[sflag:s4] =	ssyncset.done $0x0  }
0x1fd: {  	[sflag:s4] =	ssyncadd.s32 $0xFFFF8000  }
0x1fe: {  	_ =	swait.ge [sflag:s4], $0x8000  }
0x1ff: {  	[sflag:s4] =	ssyncset.done $0x0  }
0x200: {  	[sflag:s4] =	ssyncadd.s32 $0xFFFF8000  }
0x201: {  	[tilespmem:s2], [sflag:$0x1] =	stream.linear.gather [hbm4b:s28+s2], $0x8000, $0x38;
	[tilespmem:$0x18000] =	vst v63  }
0x202: {  	_ =	swait.ge [sflag:s20], $0x8000  }
0x203: {  	[sflag:s20] =	ssyncset.done $0x0  }
0x204: {  	[sflag:s20] =	ssyncadd.s32 $0xFFFF8000  }
0x205: {  	[hbm4b:s23+s2] =	stream.linear.scatter [tilespmem:s10], [sflag:$0x5], $0x8000, $0x38;
	[tilespmem:$0x18000] =	vst v63  }
0x206: {  	_ = 	snop  }
0x207: {  	[hbm4b:s24+s2] =	stream.linear.scatter [tilespmem:s10], [sflag:$0x5], $0x8000, $0x38;
	[tilespmem:$0x18000] =	vst v63  }
0x208: {  	_ = 	snop  }
0x209: {  	[hbm4b:s25+s2] =	stream.linear.scatter [tilespmem:s10], [sflag:$0x5], $0x8000, $0x38;
	[tilespmem:$0x18000] =	vst v63  }
0x20a: {  	_ = 	snop  }
0x20b: {  	[hbm4b:s26+s2] =	stream.linear.scatter [tilespmem:s10], [sflag:$0x5], $0x8000, $0x38;
	[tilespmem:$0x18000] =	vst v63  }
0x20c: {  	_ =	swait.ge [sflag:s3], $0x8000  }
0x20d: {  	[sflag:s3] =	ssyncset.done $0x0  }
0x20e: {  	[sflag:s3] =	ssyncadd.s32 $0xFFFF8000  }
0x20f: {  	_ =	swait.ge [sflag:s3], $0x8000  }
0x210: {  	[sflag:s3] =	ssyncset.done $0x0  }
0x211: {  	[sflag:s3] =	ssyncadd.s32 $0xFFFF8000  }
0x212: {  	_ =	swait.ge [sflag:s3], $0x8000  }
0x213: {  	[sflag:s3] =	ssyncset.done $0x0  }
0x214: {  	[sflag:s3] =	ssyncadd.s32 $0xFFFF8000  }
0x215: {  	_ =	swait.ge [sflag:s3], $0x8000  }
0x216: {  	[sflag:s3] =	ssyncset.done $0x0  }
0x217: {  	[sflag:s3] =	ssyncadd.s32 $0xFFFF8000  }
0x218: {  	[tilespmem:s10], [sflag:$0x2] =	stream.linear.gather [hbm4b:s19+s2], $0x8000, $0x38;
	[tilespmem:$0x18000] =	vst v63  }
0x219: {  	_ =	swait.ge [sflag:s29], $0x8000  }
0x21a: {  	[sflag:s29] =	ssyncset.done $0x0  }
0x21b: {  	[sflag:s29] =	ssyncadd.s32 $0xFFFF8000  }
0x21c: {  	[hbm4b:s15+s2] =	stream.linear.scatter [tilespmem:s21], [sflag:$0x6], $0x8000, $0x38;
	[tilespmem:$0x18000] =	vst v63  }
0x21d: {  	_ = 	snop  }
0x21e: {  	[hbm4b:s16+s2] =	stream.linear.scatter [tilespmem:s21], [sflag:$0x6], $0x8000, $0x38;
	[tilespmem:$0x18000] =	vst v63  }
0x21f: {  	_ = 	snop  }
0x220: {  	[hbm4b:s17+s2] =	stream.linear.scatter [tilespmem:s21], [sflag:$0x6], $0x8000, $0x38;
	[tilespmem:$0x18000] =	vst v63  }
0x221: {  	_ = 	snop  }
0x222: {  	[hbm4b:s18+s2] =	stream.linear.scatter [tilespmem:s21], [sflag:$0x6], $0x8000, $0x38;
	[tilespmem:$0x18000] =	vst v63  }
0x223: {  	_ =	swait.ge [sflag:s22], $0x8000  }
0x224: {  	[sflag:s22] =	ssyncset.done $0x0  }
0x225: {  	[sflag:s22] =	ssyncadd.s32 $0xFFFF8000  }
0x226: {  	[hbm4b:s11+s2] =	stream.linear.scatter [tilespmem:s2], [sflag:$0x4], $0x8000, $0x38;
	[tilespmem:$0x18000] =	vst v63  }
0x227: {  	_ = 	snop  }
0x228: {  	[hbm4b:s12+s2] =	stream.linear.scatter [tilespmem:s2], [sflag:$0x4], $0x8000, $0x38;
	[tilespmem:$0x18000] =	vst v63  }
0x229: {  	_ = 	snop  }
0x22a: {  	[hbm4b:s13+s2] =	stream.linear.scatter [tilespmem:s2], [sflag:$0x4], $0x8000, $0x38;
	[tilespmem:$0x18000] =	vst v63  }
0x22b: {  	_ = 	snop  }
0x22c: {  	[hbm4b:s14+s2] =	stream.linear.scatter [tilespmem:s2], [sflag:$0x4], $0x8000, $0x38;
	[tilespmem:$0x18000] =	vst v63  }
0x22d: {  	_ =	swait.ge [sflag:s20], $0x8000  }
0x22e: {  	[sflag:s20] =	ssyncset.done $0x0  }
0x22f: {  	[sflag:s20] =	ssyncadd.s32 $0xFFFF8000  }
0x230: {  	[hbm4b:s5+s2] =	stream.linear.scatter [tilespmem:s10], [sflag:$0x5], $0x8000, $0x38;
	[tilespmem:$0x18000] =	vst v63  }
0x231: {  	_ = 	snop  }
0x232: {  	[hbm4b:s6+s2] =	stream.linear.scatter [tilespmem:s10], [sflag:$0x5], $0x8000, $0x38;
	[tilespmem:$0x18000] =	vst v63  }
0x233: {  	_ = 	snop  }
0x234: {  	[hbm4b:s7+s2] =	stream.linear.scatter [tilespmem:s10], [sflag:$0x5], $0x8000, $0x38;
	[tilespmem:$0x18000] =	vst v63  }
0x235: {  	_ = 	snop  }
0x236: {  	[hbm4b:s8+s2] =	stream.linear.scatter [tilespmem:s10], [sflag:$0x5], $0x8000, $0x38;
	[tilespmem:$0x18000] =	vst v63  }
0x237: {  	_ =	swait.ge [sflag:s9], $0x8000  }
0x238: {  	[sflag:s9] =	ssyncset.done $0x0  }
0x239: {  	[sflag:s9] =	ssyncadd.s32 $0xFFFF8000  }
0x23a: {  	_ =	swait.ge [sflag:s9], $0x8000  }
0x23b: {  	[sflag:s9] =	ssyncset.done $0x0  }
0x23c: {  	[sflag:s9] =	ssyncadd.s32 $0xFFFF8000  }
0x23d: {  	_ =	swait.ge [sflag:s9], $0x8000  }
0x23e: {  	[sflag:s9] =	ssyncset.done $0x0  }
0x23f: {  	[sflag:s9] =	ssyncadd.s32 $0xFFFF8000  }
0x240: {  	_ =	swait.ge [sflag:s9], $0x8000  }
0x241: {  	[sflag:s9] =	ssyncset.done $0x0  }
0x242: {  	[sflag:s9] =	ssyncadd.s32 $0xFFFF8000  }
0x243: {  	_ =	swait.ge [sflag:s4], $0x8000  }
0x244: {  	[sflag:s4] =	ssyncset.done $0x0  }
0x245: {  	[sflag:s4] =	ssyncadd.s32 $0xFFFF8000  }
0x246: {  	_ =	swait.ge [sflag:s4], $0x8000  }
0x247: {  	[sflag:s4] =	ssyncset.done $0x0  }
0x248: {  	[sflag:s4] =	ssyncadd.s32 $0xFFFF8000  }
0x249: {  	_ =	swait.ge [sflag:s4], $0x8000  }
0x24a: {  	[sflag:s4] =	ssyncset.done $0x0  }
0x24b: {  	[sflag:s4] =	ssyncadd.s32 $0xFFFF8000  }
0x24c: {  	_ =	swait.ge [sflag:s4], $0x8000  }
0x24d: {  	[sflag:s4] =	ssyncset.done $0x0  }
0x24e: {  	[sflag:s4] =	ssyncadd.s32 $0xFFFF8000  }
0x24f: {  	_ =	swait.ge [sflag:s3], $0x8000  }
0x250: {  	[sflag:s3] =	ssyncset.done $0x0  }
0x251: {  	[sflag:s3] =	ssyncadd.s32 $0xFFFF8000  }
0x252: {  	_ =	swait.ge [sflag:s3], $0x8000  }
0x253: {  	[sflag:s3] =	ssyncset.done $0x0  }
0x254: {  	[sflag:s3] =	ssyncadd.s32 $0xFFFF8000  }
0x255: {  	_ =	swait.ge [sflag:s3], $0x8000  }
0x256: {  	[sflag:s3] =	ssyncset.done $0x0  }
0x257: {  	[sflag:s3] =	ssyncadd.s32 $0xFFFF8000  }
0x258: {  	_ =	swait.ge [sflag:s3], $0x8000  }
0x259: {  	[sflag:s3] =	ssyncset.done $0x0  }
0x25a: {  	[sflag:s3] =	ssyncadd.s32 $0xFFFF8000  }
0x25b: {  	_ =	sfence.sel $0x180000  }
0x25c: {  	[bflag:$0x0] =	sbarrier.arrive $0xFFFF  }
0x25d: {  	_ =	strace $0x90000047  }
0x25e: {  	s31 =	stileid.u32;
	[bflag:$0x2] =	sbarrier.arrive $0xFFFF  }
0x25f: {  	p0 =	sne.s32 s31, $0x0;
	s0 =	rddreg [dreg:$0x2]  }
0x260: {  	s0 =	sadd.s32 @!p0 $0x100000, s0  }
0x261: {  	[sflag:s0] =	ssyncadd.tile.s32 @!p0 $0x1;
	_ =	shalt  }
.LBB2_2:
.Ltmp3:
0x262: {  	(pc) =	sbr.rel .LBB2_5-.Ltmp3, $2  }
0x263: {  	_ =	sdelay $0x2  }
0x264: {  	s31 =	rddreg [dreg:$0x17]  }
.Lfunc_end2:
_tile_overlayer_lowered:
.L_overlay_start_2:
0x265: {  	(tag) =	ssettag $0x2  }
0x266: {  	s0 =	rddreg [dreg:$0x0];
	s2 =	stileid.u32  }
0x267: {  	s1 =	rddreg [dreg:$0x1];
	p0 =	sne.s32 s2, $0x0  }
0x268: {  	s3 =	rddreg [dreg:$0x2];
	[bflag:$0x3] =	sbarrier.arrive $0xFFFF;
	s2 =	simm.s32 @!p0 $0x1C07  }
0x269: {  	[timem:s3], [sflag:s2] =	dma.local @!p0 [hbm:s0], s1  }
0x26a: {  	s0 =	simm.s32 @!p0 $0x7  }
0x26b: {  	_ =	swait.ge @!p0 [sflag:s0], s1  }
0x26c: {  	s1 =	ssub.s32 @!p0 $0x0, s1;
	[sflag:s0] =	ssyncset.done @!p0 $0x0  }
0x26d: {  	[sflag:s0] =	ssyncadd.s32 @!p0 s1  }
0x26e: {  	[bflag:$0x3] =	sbarrier.arrive $0xFFFF  }
0x26f: {  	_ =	shalt  }

</sc_bundles>
